<compile_context>
chip_gen: v7x
topology: tpu7x:2x2x1
jax: 0.10.2.dev20260603
libtpu: 0.0.44.dev20260713+nightly
codegen_flags: <defaults>
</compile_context>

<pallas_src>
import functools

import jax
import jax.numpy as jnp
from jax import lax
from jax.experimental import pallas as pl
from jax.experimental.pallas import tpu as pltpu
from jax.experimental.pallas import tpu_sc as plsc

VOCAB = 100000
EMBED_DIM = 300
BATCH = 1024
SEQ = 200

NUM_WORKERS = 32
FULL_PLANES = EMBED_DIM // NUM_WORKERS * NUM_WORKERS
PLANES_PER_WORKER = FULL_PLANES // NUM_WORKERS
ROWS = 8
NUM_BLOCKS = SEQ // ROWS
TAIL_UNITS = (EMBED_DIM - FULL_PLANES) * NUM_BLOCKS
MAX_TAIL_UNITS_PER_WORKER = -(-TAIL_UNITS // NUM_WORKERS)
LANES = 16
VREGS_PER_ROW = BATCH // LANES

_mesh = plsc.VectorSubcoreMesh(core_axis_name="c", subcore_axis_name="s")


@functools.partial(
    pl.kernel,
    mesh=_mesh,
    out_type=jax.ShapeDtypeStruct((EMBED_DIM, SEQ, BATCH), jnp.float32),
    scratch_types=[
        pltpu.VMEM((VOCAB,), jnp.float32),
        pltpu.VMEM((ROWS, BATCH), jnp.int32),
        pltpu.VMEM((ROWS, BATCH), jnp.int32),
        pltpu.VMEM((ROWS, BATCH), jnp.float32),
        pltpu.SemaphoreType.DMA,
        pltpu.SemaphoreType.DMA,
        pltpu.SemaphoreType.DMA,
    ],
    compiler_params=pltpu.CompilerParams(use_tc_tiling_on_sc=True,
                                         needs_layout_passes=False),
)
def _gather_kernel(embT_hbm, wsT_hbm, outT_hbm, col_v, idx0, idx1, out_v,
                   sem_i0, sem_i1, sem_o):
    wid = lax.axis_index("s") * 2 + lax.axis_index("c")

    def gather_block(cur_idx, g, d):
        def row_body(r, carry):
            @plsc.parallel_loop(0, BATCH, step=LANES, unroll=16)
            def _(c):
                iv = cur_idx[r, pl.ds(c, LANES)]
                out_v[r, pl.ds(c, LANES)] = plsc.load_gather(col_v, [iv])

            return carry

        lax.fori_loop(0, ROWS, row_body, 0)
        pltpu.async_copy(out_v, outT_hbm.at[d, pl.ds(g * ROWS, ROWS)], sem_o)

    def do_block(g, d, cur_idx, cur_sem, nxt_idx, nxt_sem):
        pltpu.make_async_copy(
            wsT_hbm.at[pl.ds(g * ROWS, ROWS)], cur_idx, cur_sem).wait()

        @pl.when(g + 1 < NUM_BLOCKS)
        def _():
            pltpu.async_copy(
                wsT_hbm.at[pl.ds((g + 1) * ROWS, ROWS)], nxt_idx, nxt_sem)

        @pl.when(g > 0)
        def _():
            pltpu.make_async_copy(
                outT_hbm.at[d, pl.ds(0, ROWS)], out_v, sem_o).wait()

        gather_block(cur_idx, g, d)

    def plane_body(t, carry):
        d = wid + NUM_WORKERS * t
        pltpu.async_copy(wsT_hbm.at[pl.ds(0, ROWS)], idx0, sem_i0)
        pltpu.sync_copy(embT_hbm.at[d], col_v)

        def block_body(g, carry2):
            @pl.when(lax.rem(g, 2) == 0)
            def _():
                do_block(g, d, idx0, sem_i0, idx1, sem_i1)

            @pl.when(lax.rem(g, 2) == 1)
            def _():
                do_block(g, d, idx1, sem_i1, idx0, sem_i0)

            return carry2

        lax.fori_loop(0, NUM_BLOCKS, block_body, 0)
        pltpu.make_async_copy(
            outT_hbm.at[d, pl.ds(0, ROWS)], out_v, sem_o).wait()
        return carry

    lax.fori_loop(0, PLANES_PER_WORKER, plane_body, 0)

    q0 = wid * TAIL_UNITS // NUM_WORKERS
    q1 = (wid + 1) * TAIL_UNITS // NUM_WORKERS
    nunits = q1 - q0

    def tail_unit(u, cur_idx, cur_sem, nxt_idx, nxt_sem):
        q = q0 + u
        d = FULL_PLANES + q // NUM_BLOCKS
        g = lax.rem(q, NUM_BLOCKS)

        @pl.when((u == 0) | (g == 0))
        def _():
            pltpu.sync_copy(embT_hbm.at[d], col_v)

        pltpu.make_async_copy(
            wsT_hbm.at[pl.ds(0, ROWS)], cur_idx, cur_sem).wait()

        @pl.when(u + 1 < nunits)
        def _():
            g_next = lax.rem(q + 1, NUM_BLOCKS)
            pltpu.async_copy(
                wsT_hbm.at[pl.ds(g_next * ROWS, ROWS)], nxt_idx, nxt_sem)

        @pl.when(u > 0)
        def _():
            pltpu.make_async_copy(
                outT_hbm.at[0, pl.ds(0, ROWS)], out_v, sem_o).wait()

        gather_block(cur_idx, g, d)

    @pl.when(nunits > 0)
    def _():
        g_first = lax.rem(q0, NUM_BLOCKS)
        pltpu.async_copy(
            wsT_hbm.at[pl.ds(g_first * ROWS, ROWS)], idx0, sem_i0)

        def tail_body(u, carry):
            @pl.when((u < nunits) & (lax.rem(u, 2) == 0))
            def _():
                tail_unit(u, idx0, sem_i0, idx1, sem_i1)

            @pl.when((u < nunits) & (lax.rem(u, 2) == 1))
            def _():
                tail_unit(u, idx1, sem_i1, idx0, sem_i0)

            return carry

        lax.fori_loop(0, MAX_TAIL_UNITS_PER_WORKER, tail_body, 0)
        pltpu.make_async_copy(
            outT_hbm.at[0, pl.ds(0, ROWS)], out_v, sem_o).wait()


def kernel(word_sequences, embedding):
    wsT = word_sequences.T
    embT = embedding.T
    outT = _gather_kernel(embT, wsT)
    return outT.transpose(2, 1, 0)

# --- scband reference (transcript-rebuilt; emitter-appended) ---
"""Pipeline reference for scband-fast-text-lexer-42365557408392 (READ-ONLY COPY).

The authoritative reference and input builder live on the scoring server;
editing this copy changes nothing except your own understanding.
"""

import jax, jax.numpy as jnp
import numpy as np

VOCAB = 100000
EMBED_DIM = 300
BATCH = 1024
SEQ = 200
PAD_IDX = 0


def setup_inputs(seed: int = 0) -> dict:
    key = jax.random.key(seed)
    k1, k2 = jax.random.split(key)
    # integer token ids in [0, VOCAB)
    word_sequences = jax.random.randint(k1, (BATCH, SEQ), 0, VOCAB, dtype=jnp.int32)
    # pretrained embedding matrix (stands in for the fastText-intersected table)
    embedding = jax.random.normal(k2, (VOCAB, EMBED_DIM), dtype=jnp.float32) * 0.1
    # padding row is zero, matching nn.Embedding.from_pretrained(..., padding_idx=PAD_IDX)
    embedding = embedding.at[PAD_IDX].set(0.0)
    return {"word_sequences": word_sequences, "embedding": embedding}


def reference(word_sequences, embedding):
    # FastTextLexer.forward: self.embedding(word_sequences)
    return jnp.take(embedding, word_sequences, axis=0)

if __name__ == "__main__":
    import jax
    _d = setup_inputs()
    print(jax.jit(kernel)(*tuple(_d.values())))

</pallas_src>

<mosaic_0001>
#map = affine_map<(d0, d1) -> (0, 0)>
#map1 = affine_map<(d0, d1) -> (0, 0, 0)>
module attributes {stable_mosaic.version = 14 : i64} {
  func.func @_gather_kernel(%arg0: i32, %arg1: i32, %arg2: memref<300x100000xf32, #tpu.memory_space<hbm>>, %arg3: memref<200x1024xi32, #tpu.memory_space<hbm>>, %arg4: memref<300x200x1024xf32, #tpu.memory_space<hbm>>, %arg5: memref<100000xf32, #tpu.memory_space<vmem>>, %arg6: memref<8x1024xi32, #tpu.memory_space<vmem>>, %arg7: memref<8x1024xi32, #tpu.memory_space<vmem>>, %arg8: memref<8x1024xf32, #tpu.memory_space<vmem>>, %arg9: memref<!tpu.dma_semaphore, #tpu.memory_space<semaphore_mem>>, %arg10: memref<!tpu.dma_semaphore, #tpu.memory_space<semaphore_mem>>, %arg11: memref<!tpu.dma_semaphore, #tpu.memory_space<semaphore_mem>>) attributes {dimension_semantics = [#tpu.dimension_semantics<core_parallel>, #tpu.dimension_semantics<subcore_parallel>], iteration_bounds = array<i64: 2, 16>, scalar_prefetch = 0 : i64, scratch_operands = 7 : i64, tpu.core_type = #tpu.core_type<sc_vector_subcore>, window_params = [{transform_indices = #map}, {transform_indices = #map}, {transform_indices = #map1}]} {
    %mul3A = arith.constant 2 : i32
    %mul3A_0 = arith.muli %arg1, %mul3A : i32
    %add3A = arith.addi %mul3A_0, %arg0 : i32
    %scan3A = arith.constant 0 : i32
    %scan3A_1 = arith.constant 0 : i32
    %scan3A_2 = arith.constant 9 : i32
    %scan3A_3 = arith.addi %scan3A_1, %scan3A_2 : i32
    %scan3A_4 = arith.constant 1 : i32
    scf.for %scan3A_55 = %scan3A_1 to %scan3A_3 step %scan3A_4  : i32 {
      %mul3A_56 = arith.constant 32 : i32
      %mul3A_57 = arith.muli %mul3A_56, %scan3A_55 : i32
      %add3A_58 = arith.addi %add3A, %mul3A_57 : i32
      %dma_start3A = arith.constant 0 : i32
      %dma_start3A_59 = arith.constant 0 : i32
      %dma_start3A_60 = tpu.memref_slice %arg3[%dma_start3A, %dma_start3A_59] : memref<200x1024xi32, #tpu.memory_space<hbm>> -> memref<8x1024xi32, #tpu.memory_space<hbm>>
      %dma_start3A_61 = arith.constant 0 : i32
      %dma_start3A_62 = arith.constant 0 : i32
      %dma_start3A_63 = tpu.memref_slice %arg3[%dma_start3A_61, %dma_start3A_62] : memref<200x1024xi32, #tpu.memory_space<hbm>> -> memref<8x1024xi32, #tpu.memory_space<hbm>>
      tpu.enqueue_dma source(%dma_start3A_63 : memref<8x1024xi32, #tpu.memory_space<hbm>>) target(%arg6 : memref<8x1024xi32, #tpu.memory_space<vmem>>) target_semaphore(%arg9 : memref<!tpu.dma_semaphore, #tpu.memory_space<semaphore_mem>>)
      "tpu.region"() ({
        %run_scoped3A = tpu.sem_alloc : memref<!tpu.dma_semaphore, #tpu.memory_space<semaphore_mem>>
        %dma_start3A_77 = arith.constant 0 : i32
        %dma_start3A_78 = tpu.memref_slice %arg2[%add3A_58, %dma_start3A_77] : memref<300x100000xf32, #tpu.memory_space<hbm>> -> memref<1x100000xf32, #tpu.memory_space<hbm>>
        %dma_start3A_79 = tpu.memref_squeeze %dma_start3A_78 : memref<1x100000xf32, #tpu.memory_space<hbm>> -> memref<100000xf32, #tpu.memory_space<hbm>>
        %dma_start3A_80 = arith.constant 0 : i32
        %dma_start3A_81 = tpu.memref_slice %arg2[%add3A_58, %dma_start3A_80] : memref<300x100000xf32, #tpu.memory_space<hbm>> -> memref<1x100000xf32, #tpu.memory_space<hbm>>
        %dma_start3A_82 = tpu.memref_squeeze %dma_start3A_81 : memref<1x100000xf32, #tpu.memory_space<hbm>> -> memref<100000xf32, #tpu.memory_space<hbm>>
        tpu.enqueue_dma source(%dma_start3A_82 : memref<100000xf32, #tpu.memory_space<hbm>>) target(%arg5 : memref<100000xf32, #tpu.memory_space<vmem>>) target_semaphore(%run_scoped3A : memref<!tpu.dma_semaphore, #tpu.memory_space<semaphore_mem>>)
        %dma_wait3A_83 = arith.constant 0 : i32
        %dma_wait3A_84 = tpu.memref_slice %arg2[%add3A_58, %dma_wait3A_83] : memref<300x100000xf32, #tpu.memory_space<hbm>> -> memref<1x100000xf32, #tpu.memory_space<hbm>>
        %dma_wait3A_85 = tpu.memref_squeeze %dma_wait3A_84 : memref<1x100000xf32, #tpu.memory_space<hbm>> -> memref<100000xf32, #tpu.memory_space<hbm>>
        %dma_wait3A_86 = arith.constant 0 : i32
        %dma_wait3A_87 = tpu.memref_slice %arg2[%add3A_58, %dma_wait3A_86] : memref<300x100000xf32, #tpu.memory_space<hbm>> -> memref<1x100000xf32, #tpu.memory_space<hbm>>
        %dma_wait3A_88 = tpu.memref_squeeze %dma_wait3A_87 : memref<1x100000xf32, #tpu.memory_space<hbm>> -> memref<100000xf32, #tpu.memory_space<hbm>>
        tpu.wait_dma2 semaphore(%run_scoped3A : memref<!tpu.dma_semaphore, #tpu.memory_space<semaphore_mem>>) src(%dma_wait3A_88 : memref<100000xf32, #tpu.memory_space<hbm>>) dst(%arg5 : memref<100000xf32, #tpu.memory_space<vmem>>)
        tpu.yield
      }) : () -> ()
      %scan3A_64 = arith.constant 0 : i32
      %scan3A_65 = arith.constant 0 : i32
      %scan3A_66 = arith.constant 25 : i32
      %scan3A_67 = arith.addi %scan3A_65, %scan3A_66 : i32
      %scan3A_68 = arith.constant 1 : i32
      scf.for %scan3A_77 = %scan3A_65 to %scan3A_67 step %scan3A_68  : i32 {
        %rem3A_78 = arith.constant 2 : i32
        %rem3A_79 = arith.remsi %scan3A_77, %rem3A_78 : i32
        %eq3A = arith.constant 0 : i32
        %eq3A_80 = arith.cmpi eq, %rem3A_79, %eq3A : i32
        %convert_element_type3A_81 = arith.extui %eq3A_80 : i1 to i32
        %cond3A_82 = arith.constant 0 : i32
        %cond3A_83 = arith.cmpi ne, %convert_element_type3A_81, %cond3A_82 : i32
        scf.if %cond3A_83 {
          %mul3A_91 = arith.constant 8 : i32
          %mul3A_92 = arith.muli %scan3A_77, %mul3A_91 : i32
          %dma_wait3A_93 = arith.constant 0 : i32
          %dma_wait3A_94 = tpu.memref_slice %arg3[%mul3A_92, %dma_wait3A_93] : memref<200x1024xi32, #tpu.memory_space<hbm>> -> memref<8x1024xi32, #tpu.memory_space<hbm>>
          %dma_wait3A_95 = arith.constant 0 : i32
          %dma_wait3A_96 = tpu.memref_slice %arg3[%mul3A_92, %dma_wait3A_95] : memref<200x1024xi32, #tpu.memory_space<hbm>> -> memref<8x1024xi32, #tpu.memory_space<hbm>>
          tpu.wait_dma2 semaphore(%arg9 : memref<!tpu.dma_semaphore, #tpu.memory_space<semaphore_mem>>) src(%dma_wait3A_96 : memref<8x1024xi32, #tpu.memory_space<hbm>>) dst(%arg6 : memref<8x1024xi32, #tpu.memory_space<vmem>>)
          %add3A_97 = arith.constant 1 : i32
          %add3A_98 = arith.addi %scan3A_77, %add3A_97 : i32
          %lt3A = arith.constant 25 : i32
          %lt3A_99 = arith.cmpi slt, %add3A_98, %lt3A : i32
          %convert_element_type3A_100 = arith.extui %lt3A_99 : i1 to i32
          %cond3A_101 = arith.constant 0 : i32
          %cond3A_102 = arith.cmpi ne, %convert_element_type3A_100, %cond3A_101 : i32
          scf.if %cond3A_102 {
            %add3A_122 = arith.constant 1 : i32
            %add3A_123 = arith.addi %scan3A_77, %add3A_122 : i32
            %mul3A_124 = arith.constant 8 : i32
            %mul3A_125 = arith.muli %add3A_123, %mul3A_124 : i32
            %dma_start3A_126 = arith.constant 0 : i32
            %dma_start3A_127 = tpu.memref_slice %arg3[%mul3A_125, %dma_start3A_126] : memref<200x1024xi32, #tpu.memory_space<hbm>> -> memref<8x1024xi32, #tpu.memory_space<hbm>>
            %dma_start3A_128 = arith.constant 0 : i32
            %dma_start3A_129 = tpu.memref_slice %arg3[%mul3A_125, %dma_start3A_128] : memref<200x1024xi32, #tpu.memory_space<hbm>> -> memref<8x1024xi32, #tpu.memory_space<hbm>>
            tpu.enqueue_dma source(%dma_start3A_129 : memref<8x1024xi32, #tpu.memory_space<hbm>>) target(%arg7 : memref<8x1024xi32, #tpu.memory_space<vmem>>) target_semaphore(%arg10 : memref<!tpu.dma_semaphore, #tpu.memory_space<semaphore_mem>>)
          } else {
          }
          %gt3A_103 = arith.constant 0 : i32
          %gt3A_104 = arith.cmpi sgt, %scan3A_77, %gt3A_103 : i32
          %convert_element_type3A_105 = arith.extui %gt3A_104 : i1 to i32
          %cond3A_106 = arith.constant 0 : i32
          %cond3A_107 = arith.cmpi ne, %convert_element_type3A_105, %cond3A_106 : i32
          scf.if %cond3A_107 {
            %dma_wait3A_122 = arith.constant 0 : i32
            %dma_wait3A_123 = arith.constant 0 : i32
            %dma_wait3A_124 = tpu.memref_slice %arg4[%add3A_58, %dma_wait3A_122, %dma_wait3A_123] : memref<300x200x1024xf32, #tpu.memory_space<hbm>> -> memref<1x8x1024xf32, #tpu.memory_space<hbm>>
            %dma_wait3A_125 = tpu.memref_squeeze %dma_wait3A_124 : memref<1x8x1024xf32, #tpu.memory_space<hbm>> -> memref<8x1024xf32, #tpu.memory_space<hbm>>
            %dma_wait3A_126 = arith.constant 0 : i32
            %dma_wait3A_127 = arith.constant 0 : i32
            %dma_wait3A_128 = tpu.memref_slice %arg4[%add3A_58, %dma_wait3A_126, %dma_wait3A_127] : memref<300x200x1024xf32, #tpu.memory_space<hbm>> -> memref<1x8x1024xf32, #tpu.memory_space<hbm>>
            %dma_wait3A_129 = tpu.memref_squeeze %dma_wait3A_128 : memref<1x8x1024xf32, #tpu.memory_space<hbm>> -> memref<8x1024xf32, #tpu.memory_space<hbm>>
            tpu.wait_dma2 semaphore(%arg11 : memref<!tpu.dma_semaphore, #tpu.memory_space<semaphore_mem>>) src(%dma_wait3A_129 : memref<8x1024xf32, #tpu.memory_space<hbm>>) dst(%arg8 : memref<8x1024xf32, #tpu.memory_space<vmem>>)
          } else {
          }
          %scan3A_108 = arith.constant 0 : i32
          %scan3A_109 = arith.constant 0 : i32
          %scan3A_110 = arith.constant 8 : i32
          %scan3A_111 = arith.addi %scan3A_109, %scan3A_110 : i32
          %scan3A_112 = arith.constant 1 : i32
          scf.for %scan3A_122 = %scan3A_109 to %scan3A_111 step %scan3A_112  : i32 {
            %parallel_loop3A = arith.constant 0 : i32
            %parallel_loop3A_123 = arith.constant 1024 : i32
            %parallel_loop3A_124 = arith.constant 16 : i32
            scf.for %parallel_loop3A_125 = %parallel_loop3A to %parallel_loop3A_123 step %parallel_loop3A_124  : i32 {
              %parallel_loop3A_126 = arith.index_cast %scan3A_122 : i32 to index
              %parallel_loop3A_127 = arith.index_cast %parallel_loop3A_125 : i32 to index
              %parallel_loop3A_128 = tpu.vector_load %arg6[%parallel_loop3A_126, %parallel_loop3A_127] {strides = array<i32>} : memref<8x1024xi32, #tpu.memory_space<vmem>>, vector<16xi32>,
              %parallel_loop3A_129 = tpu.vector_load_idx %arg5[%parallel_loop3A_128] : memref<100000xf32, #tpu.memory_space<vmem>>[vector<16xi32>], vector<16xf32>,
              %parallel_loop3A_130 = arith.index_cast %scan3A_122 : i32 to index
              %parallel_loop3A_131 = arith.index_cast %parallel_loop3A_125 : i32 to index
              %parallel_loop3A_132 = tpu.vector_load %arg8[%parallel_loop3A_130, %parallel_loop3A_131] {strides = array<i32>} : memref<8x1024xf32, #tpu.memory_space<vmem>>, vector<16xf32>,
              tpu.vector_store %arg8[%parallel_loop3A_130, %parallel_loop3A_131], %parallel_loop3A_129 {strides = array<i32>} : memref<8x1024xf32, #tpu.memory_space<vmem>>, vector<16xf32>,
            } {sc.loop_unroll_factor = 16 : i64, sc.parallel_access}
          }
          %scan3A_113 = arith.constant 8 : i32
          %mul3A_114 = arith.constant 8 : i32
          %mul3A_115 = arith.muli %scan3A_77, %mul3A_114 : i32
          %dma_start3A_116 = arith.constant 0 : i32
          %dma_start3A_117 = tpu.memref_slice %arg4[%add3A_58, %mul3A_115, %dma_start3A_116] : memref<300x200x1024xf32, #tpu.memory_space<hbm>> -> memref<1x8x1024xf32, #tpu.memory_space<hbm>>
          %dma_start3A_118 = tpu.memref_squeeze %dma_start3A_117 : memref<1x8x1024xf32, #tpu.memory_space<hbm>> -> memref<8x1024xf32, #tpu.memory_space<hbm>>
          %dma_start3A_119 = arith.constant 0 : i32
          %dma_start3A_120 = tpu.memref_slice %arg4[%add3A_58, %mul3A_115, %dma_start3A_119] : memref<300x200x1024xf32, #tpu.memory_space<hbm>> -> memref<1x8x1024xf32, #tpu.memory_space<hbm>>
          %dma_start3A_121 = tpu.memref_squeeze %dma_start3A_120 : memref<1x8x1024xf32, #tpu.memory_space<hbm>> -> memref<8x1024xf32, #tpu.memory_space<hbm>>
          tpu.enqueue_dma source(%arg8 : memref<8x1024xf32, #tpu.memory_space<vmem>>) target(%dma_start3A_121 : memref<8x1024xf32, #tpu.memory_space<hbm>>) target_semaphore(%arg11 : memref<!tpu.dma_semaphore, #tpu.memory_space<semaphore_mem>>)
        } else {
        }
        %rem3A_84 = arith.constant 2 : i32
        %rem3A_85 = arith.remsi %scan3A_77, %rem3A_84 : i32
        %eq3A_86 = arith.constant 1 : i32
        %eq3A_87 = arith.cmpi eq, %rem3A_85, %eq3A_86 : i32
        %convert_element_type3A_88 = arith.extui %eq3A_87 : i1 to i32
        %cond3A_89 = arith.constant 0 : i32
        %cond3A_90 = arith.cmpi ne, %convert_element_type3A_88, %cond3A_89 : i32
        scf.if %cond3A_90 {
          %mul3A_91 = arith.constant 8 : i32
          %mul3A_92 = arith.muli %scan3A_77, %mul3A_91 : i32
          %dma_wait3A_93 = arith.constant 0 : i32
          %dma_wait3A_94 = tpu.memref_slice %arg3[%mul3A_92, %dma_wait3A_93] : memref<200x1024xi32, #tpu.memory_space<hbm>> -> memref<8x1024xi32, #tpu.memory_space<hbm>>
          %dma_wait3A_95 = arith.constant 0 : i32
          %dma_wait3A_96 = tpu.memref_slice %arg3[%mul3A_92, %dma_wait3A_95] : memref<200x1024xi32, #tpu.memory_space<hbm>> -> memref<8x1024xi32, #tpu.memory_space<hbm>>
          tpu.wait_dma2 semaphore(%arg10 : memref<!tpu.dma_semaphore, #tpu.memory_space<semaphore_mem>>) src(%dma_wait3A_96 : memref<8x1024xi32, #tpu.memory_space<hbm>>) dst(%arg7 : memref<8x1024xi32, #tpu.memory_space<vmem>>)
          %add3A_97 = arith.constant 1 : i32
          %add3A_98 = arith.addi %scan3A_77, %add3A_97 : i32
          %lt3A = arith.constant 25 : i32
          %lt3A_99 = arith.cmpi slt, %add3A_98, %lt3A : i32
          %convert_element_type3A_100 = arith.extui %lt3A_99 : i1 to i32
          %cond3A_101 = arith.constant 0 : i32
          %cond3A_102 = arith.cmpi ne, %convert_element_type3A_100, %cond3A_101 : i32
          scf.if %cond3A_102 {
            %add3A_122 = arith.constant 1 : i32
            %add3A_123 = arith.addi %scan3A_77, %add3A_122 : i32
            %mul3A_124 = arith.constant 8 : i32
            %mul3A_125 = arith.muli %add3A_123, %mul3A_124 : i32
            %dma_start3A_126 = arith.constant 0 : i32
            %dma_start3A_127 = tpu.memref_slice %arg3[%mul3A_125, %dma_start3A_126] : memref<200x1024xi32, #tpu.memory_space<hbm>> -> memref<8x1024xi32, #tpu.memory_space<hbm>>
            %dma_start3A_128 = arith.constant 0 : i32
            %dma_start3A_129 = tpu.memref_slice %arg3[%mul3A_125, %dma_start3A_128] : memref<200x1024xi32, #tpu.memory_space<hbm>> -> memref<8x1024xi32, #tpu.memory_space<hbm>>
            tpu.enqueue_dma source(%dma_start3A_129 : memref<8x1024xi32, #tpu.memory_space<hbm>>) target(%arg6 : memref<8x1024xi32, #tpu.memory_space<vmem>>) target_semaphore(%arg9 : memref<!tpu.dma_semaphore, #tpu.memory_space<semaphore_mem>>)
          } else {
          }
          %gt3A_103 = arith.constant 0 : i32
          %gt3A_104 = arith.cmpi sgt, %scan3A_77, %gt3A_103 : i32
          %convert_element_type3A_105 = arith.extui %gt3A_104 : i1 to i32
          %cond3A_106 = arith.constant 0 : i32
          %cond3A_107 = arith.cmpi ne, %convert_element_type3A_105, %cond3A_106 : i32
          scf.if %cond3A_107 {
            %dma_wait3A_122 = arith.constant 0 : i32
            %dma_wait3A_123 = arith.constant 0 : i32
            %dma_wait3A_124 = tpu.memref_slice %arg4[%add3A_58, %dma_wait3A_122, %dma_wait3A_123] : memref<300x200x1024xf32, #tpu.memory_space<hbm>> -> memref<1x8x1024xf32, #tpu.memory_space<hbm>>
            %dma_wait3A_125 = tpu.memref_squeeze %dma_wait3A_124 : memref<1x8x1024xf32, #tpu.memory_space<hbm>> -> memref<8x1024xf32, #tpu.memory_space<hbm>>
            %dma_wait3A_126 = arith.constant 0 : i32
            %dma_wait3A_127 = arith.constant 0 : i32
            %dma_wait3A_128 = tpu.memref_slice %arg4[%add3A_58, %dma_wait3A_126, %dma_wait3A_127] : memref<300x200x1024xf32, #tpu.memory_space<hbm>> -> memref<1x8x1024xf32, #tpu.memory_space<hbm>>
            %dma_wait3A_129 = tpu.memref_squeeze %dma_wait3A_128 : memref<1x8x1024xf32, #tpu.memory_space<hbm>> -> memref<8x1024xf32, #tpu.memory_space<hbm>>
            tpu.wait_dma2 semaphore(%arg11 : memref<!tpu.dma_semaphore, #tpu.memory_space<semaphore_mem>>) src(%dma_wait3A_129 : memref<8x1024xf32, #tpu.memory_space<hbm>>) dst(%arg8 : memref<8x1024xf32, #tpu.memory_space<vmem>>)
          } else {
          }
          %scan3A_108 = arith.constant 0 : i32
          %scan3A_109 = arith.constant 0 : i32
          %scan3A_110 = arith.constant 8 : i32
          %scan3A_111 = arith.addi %scan3A_109, %scan3A_110 : i32
          %scan3A_112 = arith.constant 1 : i32
          scf.for %scan3A_122 = %scan3A_109 to %scan3A_111 step %scan3A_112  : i32 {
            %parallel_loop3A = arith.constant 0 : i32
            %parallel_loop3A_123 = arith.constant 1024 : i32
            %parallel_loop3A_124 = arith.constant 16 : i32
            scf.for %parallel_loop3A_125 = %parallel_loop3A to %parallel_loop3A_123 step %parallel_loop3A_124  : i32 {
              %parallel_loop3A_126 = arith.index_cast %scan3A_122 : i32 to index
              %parallel_loop3A_127 = arith.index_cast %parallel_loop3A_125 : i32 to index
              %parallel_loop3A_128 = tpu.vector_load %arg7[%parallel_loop3A_126, %parallel_loop3A_127] {strides = array<i32>} : memref<8x1024xi32, #tpu.memory_space<vmem>>, vector<16xi32>,
              %parallel_loop3A_129 = tpu.vector_load_idx %arg5[%parallel_loop3A_128] : memref<100000xf32, #tpu.memory_space<vmem>>[vector<16xi32>], vector<16xf32>,
              %parallel_loop3A_130 = arith.index_cast %scan3A_122 : i32 to index
              %parallel_loop3A_131 = arith.index_cast %parallel_loop3A_125 : i32 to index
              %parallel_loop3A_132 = tpu.vector_load %arg8[%parallel_loop3A_130, %parallel_loop3A_131] {strides = array<i32>} : memref<8x1024xf32, #tpu.memory_space<vmem>>, vector<16xf32>,
              tpu.vector_store %arg8[%parallel_loop3A_130, %parallel_loop3A_131], %parallel_loop3A_129 {strides = array<i32>} : memref<8x1024xf32, #tpu.memory_space<vmem>>, vector<16xf32>,
            } {sc.loop_unroll_factor = 16 : i64, sc.parallel_access}
          }
          %scan3A_113 = arith.constant 8 : i32
          %mul3A_114 = arith.constant 8 : i32
          %mul3A_115 = arith.muli %scan3A_77, %mul3A_114 : i32
          %dma_start3A_116 = arith.constant 0 : i32
          %dma_start3A_117 = tpu.memref_slice %arg4[%add3A_58, %mul3A_115, %dma_start3A_116] : memref<300x200x1024xf32, #tpu.memory_space<hbm>> -> memref<1x8x1024xf32, #tpu.memory_space<hbm>>
          %dma_start3A_118 = tpu.memref_squeeze %dma_start3A_117 : memref<1x8x1024xf32, #tpu.memory_space<hbm>> -> memref<8x1024xf32, #tpu.memory_space<hbm>>
          %dma_start3A_119 = arith.constant 0 : i32
          %dma_start3A_120 = tpu.memref_slice %arg4[%add3A_58, %mul3A_115, %dma_start3A_119] : memref<300x200x1024xf32, #tpu.memory_space<hbm>> -> memref<1x8x1024xf32, #tpu.memory_space<hbm>>
          %dma_start3A_121 = tpu.memref_squeeze %dma_start3A_120 : memref<1x8x1024xf32, #tpu.memory_space<hbm>> -> memref<8x1024xf32, #tpu.memory_space<hbm>>
          tpu.enqueue_dma source(%arg8 : memref<8x1024xf32, #tpu.memory_space<vmem>>) target(%dma_start3A_121 : memref<8x1024xf32, #tpu.memory_space<hbm>>) target_semaphore(%arg11 : memref<!tpu.dma_semaphore, #tpu.memory_space<semaphore_mem>>)
        } else {
        }
      }
      %scan3A_69 = arith.constant 25 : i32
      %dma_wait3A = arith.constant 0 : i32
      %dma_wait3A_70 = arith.constant 0 : i32
      %dma_wait3A_71 = tpu.memref_slice %arg4[%add3A_58, %dma_wait3A, %dma_wait3A_70] : memref<300x200x1024xf32, #tpu.memory_space<hbm>> -> memref<1x8x1024xf32, #tpu.memory_space<hbm>>
      %dma_wait3A_72 = tpu.memref_squeeze %dma_wait3A_71 : memref<1x8x1024xf32, #tpu.memory_space<hbm>> -> memref<8x1024xf32, #tpu.memory_space<hbm>>
      %dma_wait3A_73 = arith.constant 0 : i32
      %dma_wait3A_74 = arith.constant 0 : i32
      %dma_wait3A_75 = tpu.memref_slice %arg4[%add3A_58, %dma_wait3A_73, %dma_wait3A_74] : memref<300x200x1024xf32, #tpu.memory_space<hbm>> -> memref<1x8x1024xf32, #tpu.memory_space<hbm>>
      %dma_wait3A_76 = tpu.memref_squeeze %dma_wait3A_75 : memref<1x8x1024xf32, #tpu.memory_space<hbm>> -> memref<8x1024xf32, #tpu.memory_space<hbm>>
      tpu.wait_dma2 semaphore(%arg11 : memref<!tpu.dma_semaphore, #tpu.memory_space<semaphore_mem>>) src(%dma_wait3A_76 : memref<8x1024xf32, #tpu.memory_space<hbm>>) dst(%arg8 : memref<8x1024xf32, #tpu.memory_space<vmem>>)
    }
    %scan3A_5 = arith.constant 9 : i32
    %mul3A_6 = arith.constant 300 : i32
    %mul3A_7 = arith.muli %add3A, %mul3A_6 : i32
    %jit3A = arith.constant 32 : i32
    %div3A = arith.divsi %mul3A_7, %jit3A : i32
    %sign3A = arith.constant 0 : i32
    %sign3A_8 = arith.cmpi sgt, %mul3A_7, %sign3A : i32
    %sign3A_9 = arith.extui %sign3A_8 : i1 to i32
    %sign3A_10 = arith.constant 0 : i32
    %sign3A_11 = arith.cmpi slt, %mul3A_7, %sign3A_10 : i32
    %sign3A_12 = arith.extui %sign3A_11 : i1 to i32
    %sign3A_13 = arith.subi %sign3A_9, %sign3A_12 : i32
    %sign3A_14 = arith.constant 0 : i32
    %sign3A_15 = arith.cmpi sgt, %jit3A, %sign3A_14 : i32
    %sign3A_16 = arith.extui %sign3A_15 : i1 to i32
    %sign3A_17 = arith.constant 0 : i32
    %sign3A_18 = arith.cmpi slt, %jit3A, %sign3A_17 : i32
    %sign3A_19 = arith.extui %sign3A_18 : i1 to i32
    %sign3A_20 = arith.subi %sign3A_16, %sign3A_19 : i32
    %ne3A = arith.cmpi ne, %sign3A_13, %sign3A_20 : i32
    %rem3A = arith.remsi %mul3A_7, %jit3A : i32
    %ne3A_21 = arith.constant 0 : i32
    %ne3A_22 = arith.cmpi ne, %rem3A, %ne3A_21 : i32
    %and3A = arith.andi %ne3A, %ne3A_22 : i1
    %sub3A = arith.constant 1 : i32
    %sub3A_23 = arith.subi %div3A, %sub3A : i32
    %select_n3A = arith.select %and3A, %sub3A_23, %div3A : i32
    %add3A_24 = arith.constant 1 : i32
    %add3A_25 = arith.addi %add3A, %add3A_24 : i32
    %mul3A_26 = arith.constant 300 : i32
    %mul3A_27 = arith.muli %add3A_25, %mul3A_26 : i32
    %jit3A_28 = arith.constant 32 : i32
    %div3A_29 = arith.divsi %mul3A_27, %jit3A_28 : i32
    %sign3A_30 = arith.constant 0 : i32
    %sign3A_31 = arith.cmpi sgt, %mul3A_27, %sign3A_30 : i32
    %sign3A_32 = arith.extui %sign3A_31 : i1 to i32
    %sign3A_33 = arith.constant 0 : i32
    %sign3A_34 = arith.cmpi slt, %mul3A_27, %sign3A_33 : i32
    %sign3A_35 = arith.extui %sign3A_34 : i1 to i32
    %sign3A_36 = arith.subi %sign3A_32, %sign3A_35 : i32
    %sign3A_37 = arith.constant 0 : i32
    %sign3A_38 = arith.cmpi sgt, %jit3A_28, %sign3A_37 : i32
    %sign3A_39 = arith.extui %sign3A_38 : i1 to i32
    %sign3A_40 = arith.constant 0 : i32
    %sign3A_41 = arith.cmpi slt, %jit3A_28, %sign3A_40 : i32
    %sign3A_42 = arith.extui %sign3A_41 : i1 to i32
    %sign3A_43 = arith.subi %sign3A_39, %sign3A_42 : i32
    %ne3A_44 = arith.cmpi ne, %sign3A_36, %sign3A_43 : i32
    %rem3A_45 = arith.remsi %mul3A_27, %jit3A_28 : i32
    %ne3A_46 = arith.constant 0 : i32
    %ne3A_47 = arith.cmpi ne, %rem3A_45, %ne3A_46 : i32
    %and3A_48 = arith.andi %ne3A_44, %ne3A_47 : i1
    %sub3A_49 = arith.constant 1 : i32
    %sub3A_50 = arith.subi %div3A_29, %sub3A_49 : i32
    %select_n3A_51 = arith.select %and3A_48, %sub3A_50, %div3A_29 : i32
    %sub3A_52 = arith.subi %select_n3A_51, %select_n3A : i32
    %gt3A = arith.constant 0 : i32
    %gt3A_53 = arith.cmpi sgt, %sub3A_52, %gt3A : i32
    %convert_element_type3A = arith.extui %gt3A_53 : i1 to i32
    %cond3A = arith.constant 0 : i32
    %cond3A_54 = arith.cmpi ne, %convert_element_type3A, %cond3A : i32
    scf.if %cond3A_54 {
      %rem3A_55 = arith.constant 25 : i32
      %rem3A_56 = arith.remsi %select_n3A, %rem3A_55 : i32
      %mul3A_57 = arith.constant 8 : i32
      %mul3A_58 = arith.muli %rem3A_56, %mul3A_57 : i32
      %dma_start3A = arith.constant 0 : i32
      %dma_start3A_59 = tpu.memref_slice %arg3[%mul3A_58, %dma_start3A] : memref<200x1024xi32, #tpu.memory_space<hbm>> -> memref<8x1024xi32, #tpu.memory_space<hbm>>
      %dma_start3A_60 = arith.constant 0 : i32
      %dma_start3A_61 = tpu.memref_slice %arg3[%mul3A_58, %dma_start3A_60] : memref<200x1024xi32, #tpu.memory_space<hbm>> -> memref<8x1024xi32, #tpu.memory_space<hbm>>
      tpu.enqueue_dma source(%dma_start3A_61 : memref<8x1024xi32, #tpu.memory_space<hbm>>) target(%arg6 : memref<8x1024xi32, #tpu.memory_space<vmem>>) target_semaphore(%arg9 : memref<!tpu.dma_semaphore, #tpu.memory_space<semaphore_mem>>)
      %scan3A_62 = arith.constant 0 : i32
      %scan3A_63 = arith.constant 0 : i32
      %scan3A_64 = arith.constant 10 : i32
      %scan3A_65 = arith.addi %scan3A_63, %scan3A_64 : i32
      %scan3A_66 = arith.constant 1 : i32
      scf.for %scan3A_76 = %scan3A_63 to %scan3A_65 step %scan3A_66  : i32 {
        %lt3A = arith.cmpi slt, %scan3A_76, %sub3A_52 : i32
        %rem3A_77 = arith.constant 2 : i32
        %rem3A_78 = arith.remsi %scan3A_76, %rem3A_77 : i32
        %eq3A = arith.constant 0 : i32
        %eq3A_79 = arith.cmpi eq, %rem3A_78, %eq3A : i32
        %and3A_80 = arith.andi %lt3A, %eq3A_79 : i1
        %convert_element_type3A_81 = arith.extui %and3A_80 : i1 to i32
        %cond3A_82 = arith.constant 0 : i32
        %cond3A_83 = arith.cmpi ne, %convert_element_type3A_81, %cond3A_82 : i32
        scf.if %cond3A_83 {
          %add3A_93 = arith.addi %select_n3A, %scan3A_76 : i32
          %jit3A_94 = arith.constant 25 : i32
          %div3A_95 = arith.divsi %add3A_93, %jit3A_94 : i32
          %sign3A_96 = arith.constant 0 : i32
          %sign3A_97 = arith.cmpi sgt, %add3A_93, %sign3A_96 : i32
          %sign3A_98 = arith.extui %sign3A_97 : i1 to i32
          %sign3A_99 = arith.constant 0 : i32
          %sign3A_100 = arith.cmpi slt, %add3A_93, %sign3A_99 : i32
          %sign3A_101 = arith.extui %sign3A_100 : i1 to i32
          %sign3A_102 = arith.subi %sign3A_98, %sign3A_101 : i32
          %sign3A_103 = arith.constant 0 : i32
          %sign3A_104 = arith.cmpi sgt, %jit3A_94, %sign3A_103 : i32
          %sign3A_105 = arith.extui %sign3A_104 : i1 to i32
          %sign3A_106 = arith.constant 0 : i32
          %sign3A_107 = arith.cmpi slt, %jit3A_94, %sign3A_106 : i32
          %sign3A_108 = arith.extui %sign3A_107 : i1 to i32
          %sign3A_109 = arith.subi %sign3A_105, %sign3A_108 : i32
          %ne3A_110 = arith.cmpi ne, %sign3A_102, %sign3A_109 : i32
          %rem3A_111 = arith.remsi %add3A_93, %jit3A_94 : i32
          %ne3A_112 = arith.constant 0 : i32
          %ne3A_113 = arith.cmpi ne, %rem3A_111, %ne3A_112 : i32
          %and3A_114 = arith.andi %ne3A_110, %ne3A_113 : i1
          %sub3A_115 = arith.constant 1 : i32
          %sub3A_116 = arith.subi %div3A_95, %sub3A_115 : i32
          %select_n3A_117 = arith.select %and3A_114, %sub3A_116, %div3A_95 : i32
          %add3A_118 = arith.constant 288 : i32
          %add3A_119 = arith.addi %add3A_118, %select_n3A_117 : i32
          %rem3A_120 = arith.constant 25 : i32
          %rem3A_121 = arith.remsi %add3A_93, %rem3A_120 : i32
          %eq3A_122 = arith.constant 0 : i32
          %eq3A_123 = arith.cmpi eq, %scan3A_76, %eq3A_122 : i32
          %eq3A_124 = arith.constant 0 : i32
          %eq3A_125 = arith.cmpi eq, %rem3A_121, %eq3A_124 : i32
          %or3A = arith.ori %eq3A_123, %eq3A_125 : i1
          %convert_element_type3A_126 = arith.extui %or3A : i1 to i32
          %cond3A_127 = arith.constant 0 : i32
          %cond3A_128 = arith.cmpi ne, %convert_element_type3A_126, %cond3A_127 : i32
          scf.if %cond3A_128 {
            "tpu.region"() ({
              %run_scoped3A = tpu.sem_alloc : memref<!tpu.dma_semaphore, #tpu.memory_space<semaphore_mem>>
              %dma_start3A_160 = arith.constant 0 : i32
              %dma_start3A_161 = tpu.memref_slice %arg2[%add3A_119, %dma_start3A_160] : memref<300x100000xf32, #tpu.memory_space<hbm>> -> memref<1x100000xf32, #tpu.memory_space<hbm>>
              %dma_start3A_162 = tpu.memref_squeeze %dma_start3A_161 : memref<1x100000xf32, #tpu.memory_space<hbm>> -> memref<100000xf32, #tpu.memory_space<hbm>>
              %dma_start3A_163 = arith.constant 0 : i32
              %dma_start3A_164 = tpu.memref_slice %arg2[%add3A_119, %dma_start3A_163] : memref<300x100000xf32, #tpu.memory_space<hbm>> -> memref<1x100000xf32, #tpu.memory_space<hbm>>
              %dma_start3A_165 = tpu.memref_squeeze %dma_start3A_164 : memref<1x100000xf32, #tpu.memory_space<hbm>> -> memref<100000xf32, #tpu.memory_space<hbm>>
              tpu.enqueue_dma source(%dma_start3A_165 : memref<100000xf32, #tpu.memory_space<hbm>>) target(%arg5 : memref<100000xf32, #tpu.memory_space<vmem>>) target_semaphore(%run_scoped3A : memref<!tpu.dma_semaphore, #tpu.memory_space<semaphore_mem>>)
              %dma_wait3A_166 = arith.constant 0 : i32
              %dma_wait3A_167 = tpu.memref_slice %arg2[%add3A_119, %dma_wait3A_166] : memref<300x100000xf32, #tpu.memory_space<hbm>> -> memref<1x100000xf32, #tpu.memory_space<hbm>>
              %dma_wait3A_168 = tpu.memref_squeeze %dma_wait3A_167 : memref<1x100000xf32, #tpu.memory_space<hbm>> -> memref<100000xf32, #tpu.memory_space<hbm>>
              %dma_wait3A_169 = arith.constant 0 : i32
              %dma_wait3A_170 = tpu.memref_slice %arg2[%add3A_119, %dma_wait3A_169] : memref<300x100000xf32, #tpu.memory_space<hbm>> -> memref<1x100000xf32, #tpu.memory_space<hbm>>
              %dma_wait3A_171 = tpu.memref_squeeze %dma_wait3A_170 : memref<1x100000xf32, #tpu.memory_space<hbm>> -> memref<100000xf32, #tpu.memory_space<hbm>>
              tpu.wait_dma2 semaphore(%run_scoped3A : memref<!tpu.dma_semaphore, #tpu.memory_space<semaphore_mem>>) src(%dma_wait3A_171 : memref<100000xf32, #tpu.memory_space<hbm>>) dst(%arg5 : memref<100000xf32, #tpu.memory_space<vmem>>)
              tpu.yield
            }) : () -> ()
          } else {
          }
          %dma_wait3A_129 = arith.constant 0 : i32
          %dma_wait3A_130 = arith.constant 0 : i32
          %dma_wait3A_131 = tpu.memref_slice %arg3[%dma_wait3A_129, %dma_wait3A_130] : memref<200x1024xi32, #tpu.memory_space<hbm>> -> memref<8x1024xi32, #tpu.memory_space<hbm>>
          %dma_wait3A_132 = arith.constant 0 : i32
          %dma_wait3A_133 = arith.constant 0 : i32
          %dma_wait3A_134 = tpu.memref_slice %arg3[%dma_wait3A_132, %dma_wait3A_133] : memref<200x1024xi32, #tpu.memory_space<hbm>> -> memref<8x1024xi32, #tpu.memory_space<hbm>>
          tpu.wait_dma2 semaphore(%arg9 : memref<!tpu.dma_semaphore, #tpu.memory_space<semaphore_mem>>) src(%dma_wait3A_134 : memref<8x1024xi32, #tpu.memory_space<hbm>>) dst(%arg6 : memref<8x1024xi32, #tpu.memory_space<vmem>>)
          %add3A_135 = arith.constant 1 : i32
          %add3A_136 = arith.addi %scan3A_76, %add3A_135 : i32
          %lt3A_137 = arith.cmpi slt, %add3A_136, %sub3A_52 : i32
          %convert_element_type3A_138 = arith.extui %lt3A_137 : i1 to i32
          %cond3A_139 = arith.constant 0 : i32
          %cond3A_140 = arith.cmpi ne, %convert_element_type3A_138, %cond3A_139 : i32
          scf.if %cond3A_140 {
            %add3A_160 = arith.constant 1 : i32
            %add3A_161 = arith.addi %add3A_93, %add3A_160 : i32
            %rem3A_162 = arith.constant 25 : i32
            %rem3A_163 = arith.remsi %add3A_161, %rem3A_162 : i32
            %mul3A_164 = arith.constant 8 : i32
            %mul3A_165 = arith.muli %rem3A_163, %mul3A_164 : i32
            %dma_start3A_166 = arith.constant 0 : i32
            %dma_start3A_167 = tpu.memref_slice %arg3[%mul3A_165, %dma_start3A_166] : memref<200x1024xi32, #tpu.memory_space<hbm>> -> memref<8x1024xi32, #tpu.memory_space<hbm>>
            %dma_start3A_168 = arith.constant 0 : i32
            %dma_start3A_169 = tpu.memref_slice %arg3[%mul3A_165, %dma_start3A_168] : memref<200x1024xi32, #tpu.memory_space<hbm>> -> memref<8x1024xi32, #tpu.memory_space<hbm>>
            tpu.enqueue_dma source(%dma_start3A_169 : memref<8x1024xi32, #tpu.memory_space<hbm>>) target(%arg7 : memref<8x1024xi32, #tpu.memory_space<vmem>>) target_semaphore(%arg10 : memref<!tpu.dma_semaphore, #tpu.memory_space<semaphore_mem>>)
          } else {
          }
          %gt3A_141 = arith.constant 0 : i32
          %gt3A_142 = arith.cmpi sgt, %scan3A_76, %gt3A_141 : i32
          %convert_element_type3A_143 = arith.extui %gt3A_142 : i1 to i32
          %cond3A_144 = arith.constant 0 : i32
          %cond3A_145 = arith.cmpi ne, %convert_element_type3A_143, %cond3A_144 : i32
          scf.if %cond3A_145 {
            %dma_wait3A_160 = arith.constant 0 : i32
            %dma_wait3A_161 = arith.constant 0 : i32
            %dma_wait3A_162 = arith.constant 0 : i32
            %dma_wait3A_163 = tpu.memref_slice %arg4[%dma_wait3A_160, %dma_wait3A_161, %dma_wait3A_162] : memref<300x200x1024xf32, #tpu.memory_space<hbm>> -> memref<1x8x1024xf32, #tpu.memory_space<hbm>>
            %dma_wait3A_164 = tpu.memref_squeeze %dma_wait3A_163 : memref<1x8x1024xf32, #tpu.memory_space<hbm>> -> memref<8x1024xf32, #tpu.memory_space<hbm>>
            %dma_wait3A_165 = arith.constant 0 : i32
            %dma_wait3A_166 = arith.constant 0 : i32
            %dma_wait3A_167 = tpu.memref_slice %arg4[%dma_wait3A_160, %dma_wait3A_165, %dma_wait3A_166] : memref<300x200x1024xf32, #tpu.memory_space<hbm>> -> memref<1x8x1024xf32, #tpu.memory_space<hbm>>
            %dma_wait3A_168 = tpu.memref_squeeze %dma_wait3A_167 : memref<1x8x1024xf32, #tpu.memory_space<hbm>> -> memref<8x1024xf32, #tpu.memory_space<hbm>>
            tpu.wait_dma2 semaphore(%arg11 : memref<!tpu.dma_semaphore, #tpu.memory_space<semaphore_mem>>) src(%dma_wait3A_168 : memref<8x1024xf32, #tpu.memory_space<hbm>>) dst(%arg8 : memref<8x1024xf32, #tpu.memory_space<vmem>>)
          } else {
          }
          %scan3A_146 = arith.constant 0 : i32
          %scan3A_147 = arith.constant 0 : i32
          %scan3A_148 = arith.constant 8 : i32
          %scan3A_149 = arith.addi %scan3A_147, %scan3A_148 : i32
          %scan3A_150 = arith.constant 1 : i32
          scf.for %scan3A_160 = %scan3A_147 to %scan3A_149 step %scan3A_150  : i32 {
            %parallel_loop3A = arith.constant 0 : i32
            %parallel_loop3A_161 = arith.constant 1024 : i32
            %parallel_loop3A_162 = arith.constant 16 : i32
            scf.for %parallel_loop3A_163 = %parallel_loop3A to %parallel_loop3A_161 step %parallel_loop3A_162  : i32 {
              %parallel_loop3A_164 = arith.index_cast %scan3A_160 : i32 to index
              %parallel_loop3A_165 = arith.index_cast %parallel_loop3A_163 : i32 to index
              %parallel_loop3A_166 = tpu.vector_load %arg6[%parallel_loop3A_164, %parallel_loop3A_165] {strides = array<i32>} : memref<8x1024xi32, #tpu.memory_space<vmem>>, vector<16xi32>,
              %parallel_loop3A_167 = tpu.vector_load_idx %arg5[%parallel_loop3A_166] : memref<100000xf32, #tpu.memory_space<vmem>>[vector<16xi32>], vector<16xf32>,
              %parallel_loop3A_168 = arith.index_cast %scan3A_160 : i32 to index
              %parallel_loop3A_169 = arith.index_cast %parallel_loop3A_163 : i32 to index
              %parallel_loop3A_170 = tpu.vector_load %arg8[%parallel_loop3A_168, %parallel_loop3A_169] {strides = array<i32>} : memref<8x1024xf32, #tpu.memory_space<vmem>>, vector<16xf32>,
              tpu.vector_store %arg8[%parallel_loop3A_168, %parallel_loop3A_169], %parallel_loop3A_167 {strides = array<i32>} : memref<8x1024xf32, #tpu.memory_space<vmem>>, vector<16xf32>,
            } {sc.loop_unroll_factor = 16 : i64, sc.parallel_access}
          }
          %scan3A_151 = arith.constant 8 : i32
          %mul3A_152 = arith.constant 8 : i32
          %mul3A_153 = arith.muli %rem3A_121, %mul3A_152 : i32
          %dma_start3A_154 = arith.constant 0 : i32
          %dma_start3A_155 = tpu.memref_slice %arg4[%add3A_119, %mul3A_153, %dma_start3A_154] : memref<300x200x1024xf32, #tpu.memory_space<hbm>> -> memref<1x8x1024xf32, #tpu.memory_space<hbm>>
          %dma_start3A_156 = tpu.memref_squeeze %dma_start3A_155 : memref<1x8x1024xf32, #tpu.memory_space<hbm>> -> memref<8x1024xf32, #tpu.memory_space<hbm>>
          %dma_start3A_157 = arith.constant 0 : i32
          %dma_start3A_158 = tpu.memref_slice %arg4[%add3A_119, %mul3A_153, %dma_start3A_157] : memref<300x200x1024xf32, #tpu.memory_space<hbm>> -> memref<1x8x1024xf32, #tpu.memory_space<hbm>>
          %dma_start3A_159 = tpu.memref_squeeze %dma_start3A_158 : memref<1x8x1024xf32, #tpu.memory_space<hbm>> -> memref<8x1024xf32, #tpu.memory_space<hbm>>
          tpu.enqueue_dma source(%arg8 : memref<8x1024xf32, #tpu.memory_space<vmem>>) target(%dma_start3A_159 : memref<8x1024xf32, #tpu.memory_space<hbm>>) target_semaphore(%arg11 : memref<!tpu.dma_semaphore, #tpu.memory_space<semaphore_mem>>)
        } else {
        }
        %lt3A_84 = arith.cmpi slt, %scan3A_76, %sub3A_52 : i32
        %rem3A_85 = arith.constant 2 : i32
        %rem3A_86 = arith.remsi %scan3A_76, %rem3A_85 : i32
        %eq3A_87 = arith.constant 1 : i32
        %eq3A_88 = arith.cmpi eq, %rem3A_86, %eq3A_87 : i32
        %and3A_89 = arith.andi %lt3A_84, %eq3A_88 : i1
        %convert_element_type3A_90 = arith.extui %and3A_89 : i1 to i32
        %cond3A_91 = arith.constant 0 : i32
        %cond3A_92 = arith.cmpi ne, %convert_element_type3A_90, %cond3A_91 : i32
        scf.if %cond3A_92 {
          %add3A_93 = arith.addi %select_n3A, %scan3A_76 : i32
          %jit3A_94 = arith.constant 25 : i32
          %div3A_95 = arith.divsi %add3A_93, %jit3A_94 : i32
          %sign3A_96 = arith.constant 0 : i32
          %sign3A_97 = arith.cmpi sgt, %add3A_93, %sign3A_96 : i32
          %sign3A_98 = arith.extui %sign3A_97 : i1 to i32
          %sign3A_99 = arith.constant 0 : i32
          %sign3A_100 = arith.cmpi slt, %add3A_93, %sign3A_99 : i32
          %sign3A_101 = arith.extui %sign3A_100 : i1 to i32
          %sign3A_102 = arith.subi %sign3A_98, %sign3A_101 : i32
          %sign3A_103 = arith.constant 0 : i32
          %sign3A_104 = arith.cmpi sgt, %jit3A_94, %sign3A_103 : i32
          %sign3A_105 = arith.extui %sign3A_104 : i1 to i32
          %sign3A_106 = arith.constant 0 : i32
          %sign3A_107 = arith.cmpi slt, %jit3A_94, %sign3A_106 : i32
          %sign3A_108 = arith.extui %sign3A_107 : i1 to i32
          %sign3A_109 = arith.subi %sign3A_105, %sign3A_108 : i32
          %ne3A_110 = arith.cmpi ne, %sign3A_102, %sign3A_109 : i32
          %rem3A_111 = arith.remsi %add3A_93, %jit3A_94 : i32
          %ne3A_112 = arith.constant 0 : i32
          %ne3A_113 = arith.cmpi ne, %rem3A_111, %ne3A_112 : i32
          %and3A_114 = arith.andi %ne3A_110, %ne3A_113 : i1
          %sub3A_115 = arith.constant 1 : i32
          %sub3A_116 = arith.subi %div3A_95, %sub3A_115 : i32
          %select_n3A_117 = arith.select %and3A_114, %sub3A_116, %div3A_95 : i32
          %add3A_118 = arith.constant 288 : i32
          %add3A_119 = arith.addi %add3A_118, %select_n3A_117 : i32
          %rem3A_120 = arith.constant 25 : i32
          %rem3A_121 = arith.remsi %add3A_93, %rem3A_120 : i32
          %eq3A_122 = arith.constant 0 : i32
          %eq3A_123 = arith.cmpi eq, %scan3A_76, %eq3A_122 : i32
          %eq3A_124 = arith.constant 0 : i32
          %eq3A_125 = arith.cmpi eq, %rem3A_121, %eq3A_124 : i32
          %or3A = arith.ori %eq3A_123, %eq3A_125 : i1
          %convert_element_type3A_126 = arith.extui %or3A : i1 to i32
          %cond3A_127 = arith.constant 0 : i32
          %cond3A_128 = arith.cmpi ne, %convert_element_type3A_126, %cond3A_127 : i32
          scf.if %cond3A_128 {
            "tpu.region"() ({
              %run_scoped3A = tpu.sem_alloc : memref<!tpu.dma_semaphore, #tpu.memory_space<semaphore_mem>>
              %dma_start3A_160 = arith.constant 0 : i32
              %dma_start3A_161 = tpu.memref_slice %arg2[%add3A_119, %dma_start3A_160] : memref<300x100000xf32, #tpu.memory_space<hbm>> -> memref<1x100000xf32, #tpu.memory_space<hbm>>
              %dma_start3A_162 = tpu.memref_squeeze %dma_start3A_161 : memref<1x100000xf32, #tpu.memory_space<hbm>> -> memref<100000xf32, #tpu.memory_space<hbm>>
              %dma_start3A_163 = arith.constant 0 : i32
              %dma_start3A_164 = tpu.memref_slice %arg2[%add3A_119, %dma_start3A_163] : memref<300x100000xf32, #tpu.memory_space<hbm>> -> memref<1x100000xf32, #tpu.memory_space<hbm>>
              %dma_start3A_165 = tpu.memref_squeeze %dma_start3A_164 : memref<1x100000xf32, #tpu.memory_space<hbm>> -> memref<100000xf32, #tpu.memory_space<hbm>>
              tpu.enqueue_dma source(%dma_start3A_165 : memref<100000xf32, #tpu.memory_space<hbm>>) target(%arg5 : memref<100000xf32, #tpu.memory_space<vmem>>) target_semaphore(%run_scoped3A : memref<!tpu.dma_semaphore, #tpu.memory_space<semaphore_mem>>)
              %dma_wait3A_166 = arith.constant 0 : i32
              %dma_wait3A_167 = tpu.memref_slice %arg2[%add3A_119, %dma_wait3A_166] : memref<300x100000xf32, #tpu.memory_space<hbm>> -> memref<1x100000xf32, #tpu.memory_space<hbm>>
              %dma_wait3A_168 = tpu.memref_squeeze %dma_wait3A_167 : memref<1x100000xf32, #tpu.memory_space<hbm>> -> memref<100000xf32, #tpu.memory_space<hbm>>
              %dma_wait3A_169 = arith.constant 0 : i32
              %dma_wait3A_170 = tpu.memref_slice %arg2[%add3A_119, %dma_wait3A_169] : memref<300x100000xf32, #tpu.memory_space<hbm>> -> memref<1x100000xf32, #tpu.memory_space<hbm>>
              %dma_wait3A_171 = tpu.memref_squeeze %dma_wait3A_170 : memref<1x100000xf32, #tpu.memory_space<hbm>> -> memref<100000xf32, #tpu.memory_space<hbm>>
              tpu.wait_dma2 semaphore(%run_scoped3A : memref<!tpu.dma_semaphore, #tpu.memory_space<semaphore_mem>>) src(%dma_wait3A_171 : memref<100000xf32, #tpu.memory_space<hbm>>) dst(%arg5 : memref<100000xf32, #tpu.memory_space<vmem>>)
              tpu.yield
            }) : () -> ()
          } else {
          }
          %dma_wait3A_129 = arith.constant 0 : i32
          %dma_wait3A_130 = arith.constant 0 : i32
          %dma_wait3A_131 = tpu.memref_slice %arg3[%dma_wait3A_129, %dma_wait3A_130] : memref<200x1024xi32, #tpu.memory_space<hbm>> -> memref<8x1024xi32, #tpu.memory_space<hbm>>
          %dma_wait3A_132 = arith.constant 0 : i32
          %dma_wait3A_133 = arith.constant 0 : i32
          %dma_wait3A_134 = tpu.memref_slice %arg3[%dma_wait3A_132, %dma_wait3A_133] : memref<200x1024xi32, #tpu.memory_space<hbm>> -> memref<8x1024xi32, #tpu.memory_space<hbm>>
          tpu.wait_dma2 semaphore(%arg10 : memref<!tpu.dma_semaphore, #tpu.memory_space<semaphore_mem>>) src(%dma_wait3A_134 : memref<8x1024xi32, #tpu.memory_space<hbm>>) dst(%arg7 : memref<8x1024xi32, #tpu.memory_space<vmem>>)
          %add3A_135 = arith.constant 1 : i32
          %add3A_136 = arith.addi %scan3A_76, %add3A_135 : i32
          %lt3A_137 = arith.cmpi slt, %add3A_136, %sub3A_52 : i32
          %convert_element_type3A_138 = arith.extui %lt3A_137 : i1 to i32
          %cond3A_139 = arith.constant 0 : i32
          %cond3A_140 = arith.cmpi ne, %convert_element_type3A_138, %cond3A_139 : i32
          scf.if %cond3A_140 {
            %add3A_160 = arith.constant 1 : i32
            %add3A_161 = arith.addi %add3A_93, %add3A_160 : i32
            %rem3A_162 = arith.constant 25 : i32
            %rem3A_163 = arith.remsi %add3A_161, %rem3A_162 : i32
            %mul3A_164 = arith.constant 8 : i32
            %mul3A_165 = arith.muli %rem3A_163, %mul3A_164 : i32
            %dma_start3A_166 = arith.constant 0 : i32
            %dma_start3A_167 = tpu.memref_slice %arg3[%mul3A_165, %dma_start3A_166] : memref<200x1024xi32, #tpu.memory_space<hbm>> -> memref<8x1024xi32, #tpu.memory_space<hbm>>
            %dma_start3A_168 = arith.constant 0 : i32
            %dma_start3A_169 = tpu.memref_slice %arg3[%mul3A_165, %dma_start3A_168] : memref<200x1024xi32, #tpu.memory_space<hbm>> -> memref<8x1024xi32, #tpu.memory_space<hbm>>
            tpu.enqueue_dma source(%dma_start3A_169 : memref<8x1024xi32, #tpu.memory_space<hbm>>) target(%arg6 : memref<8x1024xi32, #tpu.memory_space<vmem>>) target_semaphore(%arg9 : memref<!tpu.dma_semaphore, #tpu.memory_space<semaphore_mem>>)
          } else {
          }
          %gt3A_141 = arith.constant 0 : i32
          %gt3A_142 = arith.cmpi sgt, %scan3A_76, %gt3A_141 : i32
          %convert_element_type3A_143 = arith.extui %gt3A_142 : i1 to i32
          %cond3A_144 = arith.constant 0 : i32
          %cond3A_145 = arith.cmpi ne, %convert_element_type3A_143, %cond3A_144 : i32
          scf.if %cond3A_145 {
            %dma_wait3A_160 = arith.constant 0 : i32
            %dma_wait3A_161 = arith.constant 0 : i32
            %dma_wait3A_162 = arith.constant 0 : i32
            %dma_wait3A_163 = tpu.memref_slice %arg4[%dma_wait3A_160, %dma_wait3A_161, %dma_wait3A_162] : memref<300x200x1024xf32, #tpu.memory_space<hbm>> -> memref<1x8x1024xf32, #tpu.memory_space<hbm>>
            %dma_wait3A_164 = tpu.memref_squeeze %dma_wait3A_163 : memref<1x8x1024xf32, #tpu.memory_space<hbm>> -> memref<8x1024xf32, #tpu.memory_space<hbm>>
            %dma_wait3A_165 = arith.constant 0 : i32
            %dma_wait3A_166 = arith.constant 0 : i32
            %dma_wait3A_167 = tpu.memref_slice %arg4[%dma_wait3A_160, %dma_wait3A_165, %dma_wait3A_166] : memref<300x200x1024xf32, #tpu.memory_space<hbm>> -> memref<1x8x1024xf32, #tpu.memory_space<hbm>>
            %dma_wait3A_168 = tpu.memref_squeeze %dma_wait3A_167 : memref<1x8x1024xf32, #tpu.memory_space<hbm>> -> memref<8x1024xf32, #tpu.memory_space<hbm>>
            tpu.wait_dma2 semaphore(%arg11 : memref<!tpu.dma_semaphore, #tpu.memory_space<semaphore_mem>>) src(%dma_wait3A_168 : memref<8x1024xf32, #tpu.memory_space<hbm>>) dst(%arg8 : memref<8x1024xf32, #tpu.memory_space<vmem>>)
          } else {
          }
          %scan3A_146 = arith.constant 0 : i32
          %scan3A_147 = arith.constant 0 : i32
          %scan3A_148 = arith.constant 8 : i32
          %scan3A_149 = arith.addi %scan3A_147, %scan3A_148 : i32
          %scan3A_150 = arith.constant 1 : i32
          scf.for %scan3A_160 = %scan3A_147 to %scan3A_149 step %scan3A_150  : i32 {
            %parallel_loop3A = arith.constant 0 : i32
            %parallel_loop3A_161 = arith.constant 1024 : i32
            %parallel_loop3A_162 = arith.constant 16 : i32
            scf.for %parallel_loop3A_163 = %parallel_loop3A to %parallel_loop3A_161 step %parallel_loop3A_162  : i32 {
              %parallel_loop3A_164 = arith.index_cast %scan3A_160 : i32 to index
              %parallel_loop3A_165 = arith.index_cast %parallel_loop3A_163 : i32 to index
              %parallel_loop3A_166 = tpu.vector_load %arg7[%parallel_loop3A_164, %parallel_loop3A_165] {strides = array<i32>} : memref<8x1024xi32, #tpu.memory_space<vmem>>, vector<16xi32>,
              %parallel_loop3A_167 = tpu.vector_load_idx %arg5[%parallel_loop3A_166] : memref<100000xf32, #tpu.memory_space<vmem>>[vector<16xi32>], vector<16xf32>,
              %parallel_loop3A_168 = arith.index_cast %scan3A_160 : i32 to index
              %parallel_loop3A_169 = arith.index_cast %parallel_loop3A_163 : i32 to index
              %parallel_loop3A_170 = tpu.vector_load %arg8[%parallel_loop3A_168, %parallel_loop3A_169] {strides = array<i32>} : memref<8x1024xf32, #tpu.memory_space<vmem>>, vector<16xf32>,
              tpu.vector_store %arg8[%parallel_loop3A_168, %parallel_loop3A_169], %parallel_loop3A_167 {strides = array<i32>} : memref<8x1024xf32, #tpu.memory_space<vmem>>, vector<16xf32>,
            } {sc.loop_unroll_factor = 16 : i64, sc.parallel_access}
          }
          %scan3A_151 = arith.constant 8 : i32
          %mul3A_152 = arith.constant 8 : i32
          %mul3A_153 = arith.muli %rem3A_121, %mul3A_152 : i32
          %dma_start3A_154 = arith.constant 0 : i32
          %dma_start3A_155 = tpu.memref_slice %arg4[%add3A_119, %mul3A_153, %dma_start3A_154] : memref<300x200x1024xf32, #tpu.memory_space<hbm>> -> memref<1x8x1024xf32, #tpu.memory_space<hbm>>
          %dma_start3A_156 = tpu.memref_squeeze %dma_start3A_155 : memref<1x8x1024xf32, #tpu.memory_space<hbm>> -> memref<8x1024xf32, #tpu.memory_space<hbm>>
          %dma_start3A_157 = arith.constant 0 : i32
          %dma_start3A_158 = tpu.memref_slice %arg4[%add3A_119, %mul3A_153, %dma_start3A_157] : memref<300x200x1024xf32, #tpu.memory_space<hbm>> -> memref<1x8x1024xf32, #tpu.memory_space<hbm>>
          %dma_start3A_159 = tpu.memref_squeeze %dma_start3A_158 : memref<1x8x1024xf32, #tpu.memory_space<hbm>> -> memref<8x1024xf32, #tpu.memory_space<hbm>>
          tpu.enqueue_dma source(%arg8 : memref<8x1024xf32, #tpu.memory_space<vmem>>) target(%dma_start3A_159 : memref<8x1024xf32, #tpu.memory_space<hbm>>) target_semaphore(%arg11 : memref<!tpu.dma_semaphore, #tpu.memory_space<semaphore_mem>>)
        } else {
        }
      }
      %scan3A_67 = arith.constant 10 : i32
      %dma_wait3A = arith.constant 0 : i32
      %dma_wait3A_68 = arith.constant 0 : i32
      %dma_wait3A_69 = arith.constant 0 : i32
      %dma_wait3A_70 = tpu.memref_slice %arg4[%dma_wait3A, %dma_wait3A_68, %dma_wait3A_69] : memref<300x200x1024xf32, #tpu.memory_space<hbm>> -> memref<1x8x1024xf32, #tpu.memory_space<hbm>>
      %dma_wait3A_71 = tpu.memref_squeeze %dma_wait3A_70 : memref<1x8x1024xf32, #tpu.memory_space<hbm>> -> memref<8x1024xf32, #tpu.memory_space<hbm>>
      %dma_wait3A_72 = arith.constant 0 : i32
      %dma_wait3A_73 = arith.constant 0 : i32
      %dma_wait3A_74 = tpu.memref_slice %arg4[%dma_wait3A, %dma_wait3A_72, %dma_wait3A_73] : memref<300x200x1024xf32, #tpu.memory_space<hbm>> -> memref<1x8x1024xf32, #tpu.memory_space<hbm>>
      %dma_wait3A_75 = tpu.memref_squeeze %dma_wait3A_74 : memref<1x8x1024xf32, #tpu.memory_space<hbm>> -> memref<8x1024xf32, #tpu.memory_space<hbm>>
      tpu.wait_dma2 semaphore(%arg11 : memref<!tpu.dma_semaphore, #tpu.memory_space<semaphore_mem>>) src(%dma_wait3A_75 : memref<8x1024xf32, #tpu.memory_space<hbm>>) dst(%arg8 : memref<8x1024xf32, #tpu.memory_space<vmem>>)
    } else {
    }
    return
  }
}

</mosaic_0001>

<sc_bundles>
// kernel: kernel.3.cloned.1.call-start
scs
__scs_entry_jumppad:
0x0: {  	(pc) =	sbr.rel $0x88, $3  }
0x1: {  	(tag) =	ssettag $0x0;
	lr =	simm.s32 $0x1  }
0x2: {  	[smem:$0x3F9F] =	sst lr;
	_ =	strace $0xD0000000  }
0x3: {  	_ = 	snop  }
0x4: {  	_ = 	snop  }
0x5: {  	_ = 	snop  }
0x6: {  	_ = 	snop  }
0x7: {  	_ = 	snop  }
__scs_overlays_trampoline_lowered:
0x8: {  	[smem:$0x3FAE] =	sst s0  }
0x9: {  	[smem:$0x3FAF] =	sst s1  }
0xa: {  	[smem:$0x3FB0] =	sst s2  }
0xb: {  	[smem:$0x3FB1] =	sst s3  }
0xc: {  	[smem:$0x3FB2] =	sst s4  }
0xd: {  	[smem:$0x3FB3] =	sst s5  }
0xe: {  	[smem:$0x3FB4] =	sst s6  }
0xf: {  	[smem:$0x3FB5] =	sst s7  }
0x10: {  	[smem:$0x3FB6] =	sst s8  }
0x11: {  	[smem:$0x3FB7] =	sst s9;
	s0 =	simm.s32 @!p0 $0x0  }
0x12: {  	s1 =	sld [smem:$0x3F9D];
	s0 =	simm.s32 @p0 $0x1  }
0x13: {  	[smem:$0x3FB8] =	sst s0;
	s0 =	simm.s32 @!p1 $0x0  }
0x14: {  	s2 =	sld [smem:$0x3F9C];
	s0 =	simm.s32 @p1 $0x1  }
0x15: {  	[smem:$0x3FB9] =	sst s0;
	s0 =	simm.s32 @!p2 $0x0  }
0x16: {  	s3 =	sld [smem:$0x3FDB];
	s0 =	simm.s32 @p2 $0x1  }
0x17: {  	s4 =	simm.s32 $0x1BF5;
	[smem:$0x3FBB] =	sst s0  }
0x18: {  	s0 =	sld [smem:$0x3F9E];
	_ =	swait.ge [sflag:s4], $0x0  }
0x19: {  	s7 =	sld [smem:$0x3F9F]  }
0x1a: {  	s8 =	sadd.s32 $0xFFFFE003, lr  }
0x1b: {  	s9 =	sadd.s32 $0xFFFFFEF7, lr;
	s5 =	simm.s32 $0xFFFFFFFF;
	p2 =	slt.u32 s8, $0xFFFFF086  }
0x1c: {  	p1 =	slt.u32 s9, $0xF7A;
	s5 =	simm.s32 @!p2 $0x0  }
0x1d: {  	s5 =	simm.s32 @p1 $0x1;
	p0 =	seq.s32 s7, s2  }
0x1e: {  	s7 =	smul.u32 @!p0 $0xF7A, s2;
	p2 =	seq.s32 @!p0 s5, $0x0  }
0x1f: {  	s9 =	smul.u32 $0xF7A, s1;
	s8 =	simm.s32 @!p0 $0x1BF5;
	p2 =	por !p2, p0  }
0x20: {  	[sflag:s8] =	ssyncset.s32 @!p0 $0xFFFFF086;
	s6 =	sadd.s32 @!p0 s3, s7;
	s7 =	simm.s32 @!p0 $0x108  }
0x21: {  	s3 =	sadd.s32 s3, s9;
	s6 =	sadd.s32 @!p0 $0x88, s6;
	s7 =	simm.s32 @p2 $0x1082  }
0x22: {  	[simem:s7], [sflag:s8] =	dma.local @!p0 [hbm:s6], $0xF7A  }
0x23: {  	s9 =	sor.u32 $0xD0000000, s2;
	s6 =	simm.s32 $0x108;
	_ =	swait.ge @!p0 [sflag:s8], $0x0  }
0x24: {  	s3 =	sadd.s32 $0x88, s3;
	s6 =	simm.s32 @!p1 $0x1082;
	[sflag:s4] =	ssyncset.s32 $0xFFFFF086  }
0x25: {  	[simem:s6], [sflag:s4] =	dma.local [hbm:s3], $0xF7A  }
0x26: {  	[smem:$0x3F9F] =	sst s1;
	(tag) =	ssettag s2;
	_ =	strace s9  }
0x27: {  	s1 =	sld [smem:$0x3FAF]  }
0x28: {  	s2 =	sld [smem:$0x3FB0]  }
0x29: {  	s4 =	sld [smem:$0x3FB2]  }
0x2a: {  	p0 =	seq.s32 s5, $0x0;
	s5 =	sld [smem:$0x3FB3]  }
0x2b: {  	s6 =	sld [smem:$0x3FB4]  }
0x2c: {  	s7 =	sld [smem:$0x3FB5]  }
0x2d: {  	s3 =	simm.s32 $0x108;
	s8 =	sld [smem:$0x3FB6]  }
0x2e: {  	s3 =	simm.s32 @!p0 $0x1082;
	s9 =	sld [smem:$0x3FB7]  }
0x2f: {  	lr =	sadd.s32 s0, s3;
	s0 =	sld [smem:$0x3FAE]  }
0x30: {  	s3 =	sld [smem:$0x3FB1]  }
0x31: {  	[smem:$0x3FBA] =	sst s10  }
0x32: {  	s10 =	sld [smem:$0x3FB8];
	_ =	sdelay $0x3  }
0x33: {  	p0 =	seq.s32 s10, $0x1;
	s10 =	sld [smem:$0x3FBA];
	_ =	sdelay $0x3  }
0x34: {  	[smem:$0x3FBA] =	sst s10  }
0x35: {  	s10 =	sld [smem:$0x3FB9];
	_ =	sdelay $0x3  }
0x36: {  	p1 =	seq.s32 s10, $0x1;
	s10 =	sld [smem:$0x3FBA];
	_ =	sdelay $0x3  }
0x37: {  	[smem:$0x3FBA] =	sst s10  }
0x38: {  	s10 =	sld [smem:$0x3FBB]  }
0x39: {  	_ = 	snop;
	(pc) =	sbr.ind lr, $3  }
0x3a: {  	_ = 	snop  }
0x3b: {  	_ = 	snop  }
0x3c: {  	p2 =	seq.s32 s10, $0x1;
	s10 =	sld [smem:$0x3FBA]  }
0x3d: {  	_ =	shalt  }
0x3e: {  	_ =	shalt  }
0x3f: {  	_ =	shalt  }
0x40: {  	_ =	shalt  }
0x41: {  	_ =	shalt  }
0x42: {  	_ =	shalt  }
0x43: {  	_ =	shalt  }
0x44: {  	_ =	shalt  }
0x45: {  	_ =	shalt  }
0x46: {  	_ =	shalt  }
0x47: {  	_ =	shalt  }
0x48: {  	_ =	shalt  }
0x49: {  	_ =	shalt  }
0x4a: {  	_ =	shalt  }
0x4b: {  	_ =	shalt  }
0x4c: {  	_ =	shalt  }
0x4d: {  	_ =	shalt  }
0x4e: {  	_ =	shalt  }
0x4f: {  	_ =	shalt  }
0x50: {  	_ =	shalt  }
0x51: {  	_ =	shalt  }
0x52: {  	_ =	shalt  }
0x53: {  	_ =	shalt  }
0x54: {  	_ =	shalt  }
0x55: {  	_ =	shalt  }
0x56: {  	_ =	shalt  }
0x57: {  	_ =	shalt  }
0x58: {  	_ =	shalt  }
0x59: {  	_ =	shalt  }
0x5a: {  	_ =	shalt  }
0x5b: {  	_ =	shalt  }
0x5c: {  	_ =	shalt  }
0x5d: {  	_ =	shalt  }
0x5e: {  	_ =	shalt  }
0x5f: {  	_ =	shalt  }
0x60: {  	_ =	shalt  }
0x61: {  	_ =	shalt  }
0x62: {  	_ =	shalt  }
0x63: {  	_ =	shalt  }
0x64: {  	_ =	shalt  }
0x65: {  	_ =	shalt  }
0x66: {  	_ =	shalt  }
0x67: {  	_ =	shalt  }
0x68: {  	_ =	shalt  }
0x69: {  	_ =	shalt  }
0x6a: {  	_ =	shalt  }
0x6b: {  	_ =	shalt  }
0x6c: {  	_ =	shalt  }
0x6d: {  	_ =	shalt  }
0x6e: {  	_ =	shalt  }
0x6f: {  	_ =	shalt  }
0x70: {  	_ =	shalt  }
0x71: {  	_ =	shalt  }
0x72: {  	_ =	shalt  }
0x73: {  	_ =	shalt  }
0x74: {  	_ =	shalt  }
0x75: {  	_ =	shalt  }
0x76: {  	_ =	shalt  }
0x77: {  	_ =	shalt  }
0x78: {  	_ =	shalt  }
0x79: {  	_ =	shalt  }
0x7a: {  	_ =	shalt  }
0x7b: {  	_ =	shalt  }
0x7c: {  	_ =	shalt  }
0x7d: {  	_ =	shalt  }
0x7e: {  	_ =	shalt  }
0x7f: {  	_ =	shalt  }
0x80: {  	_ =	shalt  }
0x81: {  	_ =	shalt  }
0x82: {  	_ =	shalt  }
0x83: {  	_ =	shalt  }
0x84: {  	_ =	shalt  }
0x85: {  	_ =	shalt  }
0x86: {  	_ =	shalt  }
0x87: {  	_ =	shalt  }
.Lfunc_end0:
.L_simem_size_0:
called_computation_lowered:
.L_overlay_start_0:
0x88: {  	s2 =	sld [smem:$0x3FD9]  }
0x89: {  	s3 =	sld [smem:$0x3FFE];
	_ =	sdelay $0x1  }
0x8a: {  	s1 =	srdreg.scid  }
0x8b: {  	s0 =	sand.u32 $0x1, s1  }
0x8c: {  	s18 =	sshll.u32 s0, $0xA;
	s2 =	sadd.s32 s3, s2  }
0x8d: {  	s2 =	sadd.s32 s2, s18  }
0x8e: {  	[smem:$0x3FC6] =	sst s2  }
0x8f: {  	_ = 	snop  }
0x90: {  	s2 =	sld [smem:$0x3FC9]  }
0x91: {  	s19 =	sld [smem:$0x3FC8]  }
0x92: {  	s4 =	sld [smem:$0x3FD0];
	(tm) =	ssettm $0x1  }
0x93: {  	s5 =	sld [smem:$0x3FFB];
	_ =	sdelay $0x3  }
0x94: {  	_ =	strace s5  }
0x95: {  	s5 =	sld [smem:$0x3FFC];
	_ =	sdelay $0x3  }
0x96: {  	_ =	strace s5  }
0x97: {  	s5 =	sld [smem:$0x3FFD];
	_ =	sdelay $0x3  }
0x98: {  	_ =	strace s5  }
0x99: {  	_ =	strace $0x8FFFFFFF  }
0x9a: {  	s20 =	sld [smem:$0x3FDB];
	_ =	sdelay $0x1  }
0x9b: {  	s6 =	simm.s32 $_scs_section_size  }
0x9c: {  	s7 =	simm.s32 $_size__tile_overlayer_lowered;
	s8 =	simm.s32 $_tile_overlayer_lowered  }
0x9d: {  	s23 =	simm.s32 $0x1BFF;
	s22 =	sshll.u32 s8, $0x1;
	s5 =	sadd.s32 s6, s20  }
0x9e: {  	s9 =	simm.s32 $0x0;
	s21 =	sshll.u32 s7, $0x1;
	s7 =	sadd.s32 s22, s5  }
0x9f: {  	[timem:s9], [sflag:s23] =	dma.local [hbm:s7], s21  }
0xa0: {  	_ =	swait.ge [sflag:s23], s21  }
0xa1: {  	s6 =	ssub.s32 $0x0, s21;
	[sflag:s23] =	ssyncset.done $0x0  }
0xa2: {  	[sflag:s23] =	ssyncadd.s32 s6;
	_ =	sdelay $0x1  }
0xa3: {  	s24 =	simm.s32 $0x1B8B  }
0xa4: {  	_ =	swait.ge [sflag:s24], $0x1  }
0xa5: {  	[sflag:s24] =	ssyncset.done $0x0  }
0xa6: {  	s25 =	simm.s32 $0x1B8E;
	[sflag:s24] =	ssyncadd.s32 $0xFFFFFFFF  }
0xa7: {  	s26 =	simm.s32 $execute0_lowered;
	[smem:$0x3FD2] =	sst s25  }
0xa8: {  	s6 =	sshll.u32 s26, $0x1;
	_ =	strace $0x80000046;
	[dreg:$0x1] =	wrdreg $0xFFFFFFFF  }
0xa9: {  	s28 =	simm.s32 $_size_execute0_lowered;
	s5 =	sadd.s32 s5, s6;
	[dreg:$0x0] =	wrdreg $0x0  }
0xaa: {  	s6 =	sshll.u32 s28, $0x1;
	[dreg:$0x2] =	wrdreg s5  }
0xab: {  	[dreg:$0x3] =	wrdreg s6  }
0xac: {  	[dreg:$0x4] =	wrdreg $0xC0  }
0xad: {  	_ =	task [dreg:s9], $0x5FFFF  }
0xae: {  	[dreg:$0x1] =	wrdreg $0xFFFFFFFF  }
0xaf: {  	[dreg:$0x0] =	wrdreg $0x60  }
0xb0: {  	[dreg:$0x2] =	wrdreg s19  }
0xb1: {  	[dreg:$0x3] =	wrdreg s2  }
0xb2: {  	[dreg:$0x4] =	wrdreg s4  }
0xb3: {  	[dreg:$0x5] =	wrdreg $0x9  }
0xb4: {  	_ =	task.clear_ibuf [dreg:s9], $0x6FFFF;
	_ =	strace $0x90000046  }
0xb5: {  	s29 =	simm.s32 $0x9;
	_ =	strace $0x80000048  }
0xb6: {  	_ =	swait.ge [sflag:s29], $0x1  }
0xb7: {  	[sflag:s29] =	ssyncadd.s32 $0xFFFFFFFF  }
0xb8: {  	_ =	strace $0x90000048  }
0xb9: {  	_ =	sfence  }
0xba: {  	s30 =	sld [smem:$0x0];
	_ =	sdelay $0x2  }
0xbb: {  	s31 =	sshll.u32 s1, $0xD;
	s1 =	sshrl.u32 s1, $0x2  }
0xbc: {  	s3 =	sand.u32 $0x4000, s31;
	s1 =	sadd.s32 s1, s30  }
0xbd: {  	s0 =	sor.u32 s3, s0;
	s1 =	sshll.u32 s1, $0x11  }
0xbe: {  	s0 =	sor.u32 s1, s0  }
0xbf: {  	s0 =	sadd.s32 $0x8F2B, s0  }
0xc0: {  	[sflag:s0] =	ssyncadd.remote.s32 $0x1  }
0xc1: {  	_ =	sfence.sel $0xFFFF  }
0xc2: {  	[dreg:$0x0] =	wrdreg $0xFFFFFFFF;
	(pc) =	sbr.abs _section_cstart, $3  }
0xc3: {  	[dreg:$0x1] =	wrdreg $0xFFFFFFFF  }
0xc4: {  	_ =	task.clear_ibuf [dreg:s9], $0x2FFFF;
	_ =	strace $0x9FFFFFFF  }
0xc5: {  	(tm) =	ssettm $0x7FFFFFFF  }
tec
execute0_lowered:
.L_overlay_start_1:
0x0: {  	(tag) =	ssettag $0x1  }
0x1: {  	s0 =	srdreg.scid;
	s1 =	stileid.u32  }
0x2: {  	s0 =	sand.u32 $0x1, s0;
	s1 =	sshll.u32 s1, $0x1  }
0x3: {  	s3 =	rddreg [dreg:$0x0];
	s1 =	sor.u32 s0, s1  }
0x4: {  	s5 =	rddreg [dreg:$0x1];
	s2 =	smul.u32 $0x12C, s1  }
0x5: {  	s6 =	rddreg [dreg:$0x2];
	s14 =	simm.s32 $0x18700;
	s15 =	simm.s32 $0x80  }
0x6: {  	s16 =	simm.s32 $0x400;
	s17 =	simm.s32 $0x4;
	s4 =	sshrl.u32 s2, $0x5  }
0x7: {  	s18 =	simm.s32 $0x2;
	s19 =	simm.s32 $0x3;
	s7 =	smul.u32 $0xA3E, s4  }
0x8: {  	s20 =	simm.s32 $0x1C700;
	s21 =	simm.s32 $0x1;
	s0 =	ssub.s32 $0x2, s0  }
0x9: {  	s22 =	simm.s32 $0x0;
	s9 =	sshrl.u32 s0, $0x1;
	s8 =	sshrl.u32 s7, $0x10  }
0xa: {  	s30 =	sshll.u32 s1, $0x7;
	s0 =	ssub.s32 s0, s9;
	s8 =	smul.u32 $0x19, s8  }
0xb: {  	s9 =	sadd.s32 $0x400, s5;
	s2 =	sadd.s32 $0x12C, s2;
	s0 =	smax.u32 s0, $0x1  }
.Ltmp0:
0xc: {  	s7 =	simm.s32 $0x0;
	s8 =	ssub.s32 s4, s8;
	(pc) =	sbr.rel .LBB2_1-.Ltmp0, $4  }
0xd: {  	s2 =	sshrl.u32 s2, $0x5;
	[smem:$0x7FF] =	sst s7;
	s10 =	sshll.u32 s8, $0xA  }
0xe: {  	_ =	strace $0x80000047;
	[dreg:$0x5] =	wrdreg s0;
	s11 =	sand.u32 $0xFC00, s10  }
0xf: {  	s8 =	sand.u32 $0x380, s30;
	s10 =	ssub.s32 s2, s4;
	s31 =	sadd.s32 s11, s5  }
0x10: {  	s12 =	sadd.s32 $0xFFFFFFFF, s10;
	p0 =	slt.s32 s10, $0x1;
	[dreg:$0x4] =	wrdreg s31  }
.LBB2_29:
0x11: {  	_ =	swait.ge [sflag:s19], $0x2000  }
0x12: {  	[sflag:s19] =	ssyncset.done $0x0  }
0x13: {  	[sflag:s19] =	ssyncadd.s32 $0xFFFFE000  }
.LBB2_30:
0x14: {  	s22 =	sadd.s32 $0x1, s22;
	s0 =	rddreg [dreg:$0x5]  }
0x15: {  	p1 =	sne.s32 s22, s0  }
.Ltmp1:
0x16: {  	_ = 	snop;
	(pc) =	sbr.rel @!p1 .LBB2_31-.Ltmp1, $1  }
0x17: {  	_ =	sdelay $0x3  }
.LBB2_1:
.Ltmp2:
0x18: {  	(pc) =	sbr.rel .LBB2_2-.Ltmp2, $2  }
0x19: {  	_ =	sdelay $0x2  }
0x1a: {  	s23 =	simm.s32 $0x0  }
.LBB2_13:
0x1b: {  	s23 =	sadd.s32 $0x1, s23  }
0x1c: {  	p1 =	sne.s32 s23, $0x9  }
.Ltmp3:
0x1d: {  	_ = 	snop;
	(pc) =	sbr.rel @!p1 .LBB2_14-.Ltmp3, $4  }
0x1e: {  	_ = 	snop  }
0x1f: {  	_ =	swait.ge [sflag:s19], $0x2000  }
0x20: {  	[sflag:s19] =	ssyncset.done $0x0  }
0x21: {  	[sflag:s19] =	ssyncadd.s32 $0xFFFFE000  }
.LBB2_2:
0x22: {  	s0 =	sshll.u32 s23, $0x5  }
0x23: {  	s0 =	sor.u32 s1, s0  }
0x24: {  	s2 =	sshrl.u32 s0, $0x3  }
0x25: {  	s24 =	simm.s32 $0x0;
	s2 =	smul.u32 $0xC3800, s2  }
0x26: {  	[tilespmem:s14], [sflag:$0x1] =	stream.linear.gather [hbm4b:s5+s24], $0x2000, $0x38;
	[tilespmem:$0x1E700] =	vst v63  }
0x27: {  	s2 =	sor.u32 s8, s2  }
0x28: {  	s2 =	sshrl.u32 s2, $0x3  }
.Ltmp4:
0x29: {  	s2 =	sadd.s32 s3, s2;
	(pc) =	sbr.rel .LBB2_3-.Ltmp4, $4  }
0x2a: {  	[tilespmem:s24], [sflag:$0x4] =	stream.strided.gather [hbm4b:s2+s15], $0x18700, s16, s15, $0x38;
	[tilespmem:$0x1E700] =	vst v63  }
0x2b: {  	_ =	swait.ge [sflag:s17], $0x18700  }
0x2c: {  	[sflag:s17] =	ssyncset.done $0x0  }
0x2d: {  	s25 =	smul.u32 $0x32000, s0;
	[sflag:s17] =	ssyncadd.s32 $0xFFFE7900  }
.LBB2_12:
0x2e: {  	s0 =	sshll.u32 s24, $0xD;
	s24 =	sadd.s32 $0x1, s24  }
0x2f: {  	p1 =	sne.s32 s24, $0x19  }
.Ltmp5:
0x30: {  	_ = 	snop;
	(pc) =	sbr.rel @!p1 .LBB2_13-.Ltmp5, $4  }
0x31: {  	s0 =	sadd.s32 s25, s0  }
0x32: {  	s0 =	sshrl.u32 s0, $0x3  }
0x33: {  	s0 =	sadd.s32 s6, s0  }
0x34: {  	[hbm4b:s0+s7] =	stream.linear.scatter [tilespmem:s20], [sflag:$0x3], $0x2000, $0x38;
	[tilespmem:$0x1E700] =	vst v63  }
.LBB2_3:
0x35: {  	s0 =	sand.u32 $0x1, s24  }
0x36: {  	p1 =	seq.s32 s0, $0x1  }
.Ltmp6:
0x37: {  	_ = 	snop;
	(pc) =	sbr.rel @!p1 .LBB2_4-.Ltmp6, $1  }
0x38: {  	_ =	sdelay $0x3  }
0x39: {  	_ =	swait.ge [sflag:s18], $0x2000  }
0x3a: {  	s0 =	sshll.u32 s24, $0xA;
	[sflag:s18] =	ssyncset.done $0x0  }
0x3b: {  	s26 =	simm.s32 $0x0;
	s0 =	sadd.s32 s0, s9;
	[sflag:s18] =	ssyncadd.s32 $0xFFFFE000  }
0x3c: {  	[tilespmem:s14], [sflag:$0x1] =	stream.linear.gather [hbm4b:s0+s26], $0x2000, $0x38;
	[tilespmem:$0x1E700] =	vst v63  }
0x3d: {  	_ =	swait.ge [sflag:s19], $0x2000  }
0x3e: {  	[sflag:s19] =	ssyncset.done $0x0  }
0x3f: {  	s28 =	simm.s32 $0x1CB00;
	s29 =	simm.s32 $0x1AB00;
	[sflag:s19] =	ssyncadd.s32 $0xFFFFE000  }
.LBB2_9:
0x40: {  	v0 =	vld [tilespmem:s29+$0x70]  }
0x41: {  	v1 =	vld [tilespmem:s29+$0xFFFFFC10]  }
0x42: {  	v2 =	vld [tilespmem:s29+$0xFFFFFC20]  }
0x43: {  	v3 =	vld [tilespmem:s29+$0xFFFFFC30]  }
0x44: {  	v4 =	vld [tilespmem:s29+$0xFFFFFC40]  }
0x45: {  	v5 =	vld [tilespmem:s29+$0xFFFFFC50]  }
0x46: {  	v6 =	vld [tilespmem:s29+$0xFFFFFC60]  }
0x47: {  	v7 =	vld [tilespmem:s29+$0xFFFFFC70]  }
0x48: {  	v8 =	vld [tilespmem:s29+$0x0]  }
0x49: {  	v9 =	vld [tilespmem:s29+$0x10]  }
0x4a: {  	v10 =	vld [tilespmem:s29+$0x20]  }
0x4b: {  	v11 =	vld [tilespmem:s29+$0x30]  }
0x4c: {  	v12 =	vld [tilespmem:s29+$0x40]  }
0x4d: {  	v13 =	vld [tilespmem:s29+$0x50]  }
0x4e: {  	v14 =	vld [tilespmem:s29+$0x60]  }
0x4f: {  	v15 =	vld [tilespmem:s29+$0xFFFFFC00]  }
0x50: {  	v0 =	vld.idx.msk [tilespmem:v0+s7+$0x0], $0xffff  }
0x51: {  	v1 =	vld.idx.msk [tilespmem:v1+s7+$0x0], $0xffff  }
0x52: {  	v2 =	vld.idx.msk [tilespmem:v2+s7+$0x0], $0xffff  }
0x53: {  	v3 =	vld.idx.msk [tilespmem:v3+s7+$0x0], $0xffff  }
0x54: {  	v4 =	vld.idx.msk [tilespmem:v4+s7+$0x0], $0xffff  }
0x55: {  	v5 =	vld.idx.msk [tilespmem:v5+s7+$0x0], $0xffff  }
0x56: {  	v6 =	vld.idx.msk [tilespmem:v6+s7+$0x0], $0xffff;
	[tilespmem:s28+$0x70] =	vst v0  }
0x57: {  	v7 =	vld.idx.msk [tilespmem:v7+s7+$0x0], $0xffff;
	[tilespmem:s28+$0xFFFFFC10] =	vst v1  }
0x58: {  	v15 =	vld.idx.msk [tilespmem:v15+s7+$0x0], $0xffff;
	[tilespmem:s28+$0xFFFFFC20] =	vst v2  }
0x59: {  	v8 =	vld.idx.msk [tilespmem:v8+s7+$0x0], $0xffff;
	[tilespmem:s28+$0xFFFFFC30] =	vst v3  }
0x5a: {  	[tilespmem:s28+$0xFFFFFC40] =	vst v4;
	v0 =	vld.idx.msk [tilespmem:v9+s7+$0x0], $0xffff  }
0x5b: {  	[tilespmem:s28+$0xFFFFFC50] =	vst v5;
	v1 =	vld.idx.msk [tilespmem:v10+s7+$0x0], $0xffff  }
0x5c: {  	[tilespmem:s28+$0xFFFFFC60] =	vst v6;
	v2 =	vld.idx.msk [tilespmem:v11+s7+$0x0], $0xffff  }
0x5d: {  	[tilespmem:s28+$0xFFFFFC70] =	vst v7;
	v3 =	vld.idx.msk [tilespmem:v12+s7+$0x0], $0xffff  }
0x5e: {  	[tilespmem:s28+$0xFFFFFC00] =	vst v15;
	v4 =	vld.idx.msk [tilespmem:v13+s7+$0x0], $0xffff  }
0x5f: {  	s0 =	simm.s32 $0x0;
	s11 =	sadd.s32 $0x800, s29;
	s2 =	smov.u32 s28;
	[tilespmem:s28+$0x0] =	vst v8;
	v5 =	vld.idx.msk [tilespmem:v14+s7+$0x0], $0xffff  }
.LBB2_10:
0x60: {  	v6 =	vld [tilespmem:s11+$0x70];
	s0 =	sadd.s32 $0x100, s0;
	[tilespmem:s2+$0x10] =	vst v0  }
0x61: {  	v0 =	vld [tilespmem:s11+$0xFFFFFC10];
	p1 =	slt.u32 s0, $0x300;
	[tilespmem:s2+$0x20] =	vst v1  }
0x62: {  	v1 =	vld [tilespmem:s11+$0xFFFFFC20];
	[tilespmem:s2+$0x30] =	vst v2  }
0x63: {  	v2 =	vld [tilespmem:s11+$0xFFFFFC30];
	[tilespmem:s2+$0x40] =	vst v3  }
0x64: {  	v3 =	vld [tilespmem:s11+$0xFFFFFC40];
	[tilespmem:s2+$0x50] =	vst v4  }
0x65: {  	v4 =	vld [tilespmem:s11+$0xFFFFFC50];
	[tilespmem:s2+$0x60] =	vst v5  }
0x66: {  	v5 =	vld [tilespmem:s11+$0xFFFFFC60]  }
0x67: {  	v7 =	vld [tilespmem:s11+$0xFFFFFC70]  }
0x68: {  	v6 =	vld.idx.msk [tilespmem:v6+s7+$0x0], $0xffff  }
0x69: {  	v8 =	vld [tilespmem:s11+$0x0]  }
0x6a: {  	v9 =	vld [tilespmem:s11+$0x10]  }
0x6b: {  	v10 =	vld [tilespmem:s11+$0x20]  }
0x6c: {  	v11 =	vld [tilespmem:s11+$0x30]  }
0x6d: {  	s2 =	sadd.s32 $0x800, s2;
	v12 =	vld [tilespmem:s11+$0x40]  }
0x6e: {  	v13 =	vld [tilespmem:s11+$0x50];
	[tilespmem:s2+$0x70] =	vst v6  }
0x6f: {  	v6 =	vld [tilespmem:s11+$0x60]  }
0x70: {  	v14 =	vld [tilespmem:s11+$0xFFFFFC00]  }
0x71: {  	v0 =	vld.idx.msk [tilespmem:v0+s7+$0x0], $0xffff  }
0x72: {  	v1 =	vld.idx.msk [tilespmem:v1+s7+$0x0], $0xffff  }
0x73: {  	v2 =	vld.idx.msk [tilespmem:v2+s7+$0x0], $0xffff  }
0x74: {  	v3 =	vld.idx.msk [tilespmem:v3+s7+$0x0], $0xffff  }
0x75: {  	v4 =	vld.idx.msk [tilespmem:v4+s7+$0x0], $0xffff  }
0x76: {  	v5 =	vld.idx.msk [tilespmem:v5+s7+$0x0], $0xffff  }
0x77: {  	[tilespmem:s2+$0xFFFFFC10] =	vst v0;
	v7 =	vld.idx.msk [tilespmem:v7+s7+$0x0], $0xffff  }
0x78: {  	v14 =	vld.idx.msk [tilespmem:v14+s7+$0x0], $0xffff;
	[tilespmem:s2+$0xFFFFFC20] =	vst v1  }
0x79: {  	[tilespmem:s2+$0xFFFFFC30] =	vst v2;
	v8 =	vld.idx.msk [tilespmem:v8+s7+$0x0], $0xffff  }
0x7a: {  	[tilespmem:s2+$0xFFFFFC40] =	vst v3;
	v0 =	vld.idx.msk [tilespmem:v9+s7+$0x0], $0xffff  }
.Ltmp7:
0x7b: {  	[tilespmem:s2+$0xFFFFFC50] =	vst v4;
	v1 =	vld.idx.msk [tilespmem:v10+s7+$0x0], $0xffff;
	(pc) =	sbr.rel @p1 .LBB2_10-.Ltmp7, $4  }
0x7c: {  	[tilespmem:s2+$0xFFFFFC60] =	vst v5;
	v2 =	vld.idx.msk [tilespmem:v11+s7+$0x0], $0xffff  }
0x7d: {  	[tilespmem:s2+$0xFFFFFC70] =	vst v7;
	v3 =	vld.idx.msk [tilespmem:v12+s7+$0x0], $0xffff  }
0x7e: {  	[tilespmem:s2+$0xFFFFFC00] =	vst v14;
	v4 =	vld.idx.msk [tilespmem:v13+s7+$0x0], $0xffff  }
0x7f: {  	s11 =	sadd.s32 $0x800, s11;
	[tilespmem:s2+$0x0] =	vst v8;
	v5 =	vld.idx.msk [tilespmem:v6+s7+$0x0], $0xffff  }
0x80: {  	s26 =	sadd.s32 $0x1, s26  }
0x81: {  	[tilespmem:s2+$0x10] =	vst v0;
	p1 =	sne.s32 s26, $0x8  }
.Ltmp8:
0x82: {  	[tilespmem:s2+$0x20] =	vst v1;
	(pc) =	sbr.rel @p1 .LBB2_9-.Ltmp8, $4  }
.Ltmp9:
0x83: {  	[tilespmem:s2+$0x30] =	vst v2;
	(pc) =	sbr.rel @!p1 .LBB2_12-.Ltmp9, $4  }
0x84: {  	[tilespmem:s2+$0x40] =	vst v3  }
0x85: {  	[tilespmem:s2+$0x50] =	vst v4  }
0x86: {  	s28 =	sadd.s32 $0x80, s28;
	s29 =	sadd.s32 $0x80, s29;
	[tilespmem:s2+$0x60] =	vst v5  }
0x87: {  	_ = 	snop  }
.LBB2_4:
0x88: {  	_ =	swait.ge [sflag:s21], $0x2000  }
0x89: {  	p1 =	seq.s32 s24, $0x18;
	[sflag:s21] =	ssyncset.done $0x0  }
0x8a: {  	s0 =	sshll.u32 @!p1 s24, $0xA;
	s2 =	simm.s32 @!p1 $0x0;
	s11 =	simm.s32 @!p1 $0x1A700  }
0x8b: {  	p2 =	seq.s32 @!p1 s24, $0x0;
	[sflag:s21] =	ssyncadd.s32 $0xFFFFE000;
	s0 =	sadd.s32 @!p1 s0, s9  }
0x8c: {  	[tilespmem:s11], [sflag:$0x2] =	stream.linear.gather @!p1 [hbm4b:s0+s2], $0x2000, $0x38;
	[tilespmem:$0x1E700] =	vst v63  }
0x8d: {  	p1 =	por p1, !p2  }
0x8e: {  	_ =	swait.ge @p1 [sflag:s19], $0x2000  }
0x8f: {  	s26 =	simm.s32 $0x0;
	[sflag:s19] =	ssyncset.done @p1 $0x0  }
0x90: {  	s28 =	simm.s32 $0x1CB00;
	s29 =	simm.s32 $0x18B00;
	[sflag:s19] =	ssyncadd.s32 @p1 $0xFFFFE000  }
.LBB2_5:
0x91: {  	v0 =	vld [tilespmem:s29+$0x70]  }
0x92: {  	v1 =	vld [tilespmem:s29+$0xFFFFFC10]  }
0x93: {  	v2 =	vld [tilespmem:s29+$0xFFFFFC20]  }
0x94: {  	v3 =	vld [tilespmem:s29+$0xFFFFFC30]  }
0x95: {  	v4 =	vld [tilespmem:s29+$0xFFFFFC40]  }
0x96: {  	v5 =	vld [tilespmem:s29+$0xFFFFFC50]  }
0x97: {  	v6 =	vld [tilespmem:s29+$0xFFFFFC60]  }
0x98: {  	v7 =	vld [tilespmem:s29+$0xFFFFFC70]  }
0x99: {  	v8 =	vld [tilespmem:s29+$0x0]  }
0x9a: {  	v9 =	vld [tilespmem:s29+$0x10]  }
0x9b: {  	v10 =	vld [tilespmem:s29+$0x20]  }
0x9c: {  	v11 =	vld [tilespmem:s29+$0x30]  }
0x9d: {  	v12 =	vld [tilespmem:s29+$0x40]  }
0x9e: {  	v13 =	vld [tilespmem:s29+$0x50]  }
0x9f: {  	v14 =	vld [tilespmem:s29+$0x60]  }
0xa0: {  	v15 =	vld [tilespmem:s29+$0xFFFFFC00]  }
0xa1: {  	v0 =	vld.idx.msk [tilespmem:v0+s7+$0x0], $0xffff  }
0xa2: {  	v1 =	vld.idx.msk [tilespmem:v1+s7+$0x0], $0xffff  }
0xa3: {  	v2 =	vld.idx.msk [tilespmem:v2+s7+$0x0], $0xffff  }
0xa4: {  	v3 =	vld.idx.msk [tilespmem:v3+s7+$0x0], $0xffff  }
0xa5: {  	v4 =	vld.idx.msk [tilespmem:v4+s7+$0x0], $0xffff  }
0xa6: {  	v5 =	vld.idx.msk [tilespmem:v5+s7+$0x0], $0xffff  }
0xa7: {  	v6 =	vld.idx.msk [tilespmem:v6+s7+$0x0], $0xffff;
	[tilespmem:s28+$0x70] =	vst v0  }
0xa8: {  	v7 =	vld.idx.msk [tilespmem:v7+s7+$0x0], $0xffff;
	[tilespmem:s28+$0xFFFFFC10] =	vst v1  }
0xa9: {  	v15 =	vld.idx.msk [tilespmem:v15+s7+$0x0], $0xffff;
	[tilespmem:s28+$0xFFFFFC20] =	vst v2  }
0xaa: {  	v8 =	vld.idx.msk [tilespmem:v8+s7+$0x0], $0xffff;
	[tilespmem:s28+$0xFFFFFC30] =	vst v3  }
0xab: {  	[tilespmem:s28+$0xFFFFFC40] =	vst v4;
	v0 =	vld.idx.msk [tilespmem:v9+s7+$0x0], $0xffff  }
0xac: {  	[tilespmem:s28+$0xFFFFFC50] =	vst v5;
	v1 =	vld.idx.msk [tilespmem:v10+s7+$0x0], $0xffff  }
0xad: {  	[tilespmem:s28+$0xFFFFFC60] =	vst v6;
	v2 =	vld.idx.msk [tilespmem:v11+s7+$0x0], $0xffff  }
0xae: {  	[tilespmem:s28+$0xFFFFFC70] =	vst v7;
	v3 =	vld.idx.msk [tilespmem:v12+s7+$0x0], $0xffff  }
0xaf: {  	[tilespmem:s28+$0xFFFFFC00] =	vst v15;
	v4 =	vld.idx.msk [tilespmem:v13+s7+$0x0], $0xffff  }
0xb0: {  	s0 =	simm.s32 $0x0;
	s11 =	sadd.s32 $0x800, s29;
	s2 =	smov.u32 s28;
	[tilespmem:s28+$0x0] =	vst v8;
	v5 =	vld.idx.msk [tilespmem:v14+s7+$0x0], $0xffff  }
.LBB2_6:
0xb1: {  	v6 =	vld [tilespmem:s11+$0x70];
	s0 =	sadd.s32 $0x100, s0;
	[tilespmem:s2+$0x10] =	vst v0  }
0xb2: {  	v0 =	vld [tilespmem:s11+$0xFFFFFC10];
	p1 =	slt.u32 s0, $0x300;
	[tilespmem:s2+$0x20] =	vst v1  }
0xb3: {  	v1 =	vld [tilespmem:s11+$0xFFFFFC20];
	[tilespmem:s2+$0x30] =	vst v2  }
0xb4: {  	v2 =	vld [tilespmem:s11+$0xFFFFFC30];
	[tilespmem:s2+$0x40] =	vst v3  }
0xb5: {  	v3 =	vld [tilespmem:s11+$0xFFFFFC40];
	[tilespmem:s2+$0x50] =	vst v4  }
0xb6: {  	v4 =	vld [tilespmem:s11+$0xFFFFFC50];
	[tilespmem:s2+$0x60] =	vst v5  }
0xb7: {  	v5 =	vld [tilespmem:s11+$0xFFFFFC60]  }
0xb8: {  	v7 =	vld [tilespmem:s11+$0xFFFFFC70]  }
0xb9: {  	v6 =	vld.idx.msk [tilespmem:v6+s7+$0x0], $0xffff  }
0xba: {  	v8 =	vld [tilespmem:s11+$0x0]  }
0xbb: {  	v9 =	vld [tilespmem:s11+$0x10]  }
0xbc: {  	v10 =	vld [tilespmem:s11+$0x20]  }
0xbd: {  	v11 =	vld [tilespmem:s11+$0x30]  }
0xbe: {  	s2 =	sadd.s32 $0x800, s2;
	v12 =	vld [tilespmem:s11+$0x40]  }
0xbf: {  	v13 =	vld [tilespmem:s11+$0x50];
	[tilespmem:s2+$0x70] =	vst v6  }
0xc0: {  	v6 =	vld [tilespmem:s11+$0x60]  }
0xc1: {  	v14 =	vld [tilespmem:s11+$0xFFFFFC00]  }
0xc2: {  	v0 =	vld.idx.msk [tilespmem:v0+s7+$0x0], $0xffff  }
0xc3: {  	v1 =	vld.idx.msk [tilespmem:v1+s7+$0x0], $0xffff  }
0xc4: {  	v2 =	vld.idx.msk [tilespmem:v2+s7+$0x0], $0xffff  }
0xc5: {  	v3 =	vld.idx.msk [tilespmem:v3+s7+$0x0], $0xffff  }
0xc6: {  	v4 =	vld.idx.msk [tilespmem:v4+s7+$0x0], $0xffff  }
0xc7: {  	v5 =	vld.idx.msk [tilespmem:v5+s7+$0x0], $0xffff  }
0xc8: {  	[tilespmem:s2+$0xFFFFFC10] =	vst v0;
	v7 =	vld.idx.msk [tilespmem:v7+s7+$0x0], $0xffff  }
0xc9: {  	v14 =	vld.idx.msk [tilespmem:v14+s7+$0x0], $0xffff;
	[tilespmem:s2+$0xFFFFFC20] =	vst v1  }
0xca: {  	[tilespmem:s2+$0xFFFFFC30] =	vst v2;
	v8 =	vld.idx.msk [tilespmem:v8+s7+$0x0], $0xffff  }
0xcb: {  	[tilespmem:s2+$0xFFFFFC40] =	vst v3;
	v0 =	vld.idx.msk [tilespmem:v9+s7+$0x0], $0xffff  }
.Ltmp10:
0xcc: {  	[tilespmem:s2+$0xFFFFFC50] =	vst v4;
	v1 =	vld.idx.msk [tilespmem:v10+s7+$0x0], $0xffff;
	(pc) =	sbr.rel @p1 .LBB2_6-.Ltmp10, $4  }
0xcd: {  	[tilespmem:s2+$0xFFFFFC60] =	vst v5;
	v2 =	vld.idx.msk [tilespmem:v11+s7+$0x0], $0xffff  }
0xce: {  	[tilespmem:s2+$0xFFFFFC70] =	vst v7;
	v3 =	vld.idx.msk [tilespmem:v12+s7+$0x0], $0xffff  }
0xcf: {  	[tilespmem:s2+$0xFFFFFC00] =	vst v14;
	v4 =	vld.idx.msk [tilespmem:v13+s7+$0x0], $0xffff  }
0xd0: {  	s11 =	sadd.s32 $0x800, s11;
	[tilespmem:s2+$0x0] =	vst v8;
	v5 =	vld.idx.msk [tilespmem:v6+s7+$0x0], $0xffff  }
0xd1: {  	s26 =	sadd.s32 $0x1, s26  }
0xd2: {  	[tilespmem:s2+$0x10] =	vst v0;
	p1 =	seq.s32 s26, $0x8  }
.Ltmp11:
0xd3: {  	[tilespmem:s2+$0x20] =	vst v1;
	(pc) =	sbr.rel @!p1 .LBB2_5-.Ltmp11, $4  }
.Ltmp12:
0xd4: {  	[tilespmem:s2+$0x30] =	vst v2;
	(pc) =	sbr.rel @p1 .LBB2_12-.Ltmp12, $4  }
0xd5: {  	[tilespmem:s2+$0x40] =	vst v3  }
0xd6: {  	[tilespmem:s2+$0x50] =	vst v4  }
0xd7: {  	s28 =	sadd.s32 $0x80, s28;
	s29 =	sadd.s32 $0x80, s29;
	[tilespmem:s2+$0x60] =	vst v5  }
0xd8: {  	_ = 	snop  }
.LBB2_14:
.Ltmp13:
0xd9: {  	(pc) =	sbr.rel @p0 .LBB2_30-.Ltmp13, $1  }
0xda: {  	_ =	sdelay $0x3  }
.Ltmp14:
0xdb: {  	(pc) =	sbr.rel .LBB2_16-.Ltmp14, $3  }
0xdc: {  	_ =	sdelay $0x1  }
0xdd: {  	s23 =	simm.s32 $0x0;
	s0 =	rddreg [dreg:$0x4]  }
0xde: {  	[tilespmem:s14], [sflag:$0x1] =	stream.linear.gather [hbm4b:s0+s23], $0x2000, $0x38;
	[tilespmem:$0x1E700] =	vst v63  }
.LBB2_28:
0xdf: {  	s23 =	sadd.s32 $0x1, s23  }
0xe0: {  	p1 =	sne.s32 s23, $0xA  }
.Ltmp15:
0xe1: {  	_ = 	snop;
	(pc) =	sbr.rel @!p1 .LBB2_29-.Ltmp15, $1  }
0xe2: {  	_ =	sdelay $0x3  }
.LBB2_16:
0xe3: {  	p1 =	sge.s32 s23, s10;
	s26 =	sand.u32 $0x1, s23  }
0xe4: {  	p2 =	sne.s32 @!p1 s26, $0x0  }
0xe5: {  	p2 =	por p1, p2  }
.Ltmp16:
0xe6: {  	_ = 	snop;
	(pc) =	sbr.rel @p2 .LBB2_22-.Ltmp16, $3  }
0xe7: {  	_ =	sdelay $0x1  }
0xe8: {  	s24 =	sadd.s32 s4, s23  }
0xe9: {  	s25 =	smulhi.u32 $0x51EB851F, s24  }
0xea: {  	_ = 	snop  }
0xeb: {  	s0 =	sshrl.u32 s25, $0x3  }
0xec: {  	s2 =	smul.u32 $0x19, s0;
	_ =	sdelay $0x1  }
0xed: {  	p2 =	seq.s32 s23, $0x0;
	s28 =	ssub.s32 s24, s2  }
0xee: {  	p3 =	sne.s32 @!p2 s28, $0x0  }
0xef: {  	s29 =	sadd.s32 $0x120, s0;
	p3 =	por p2, !p3  }
0xf0: {  	s2 =	sshrl.u32 @p3 s29, $0x3  }
0xf1: {  	s0 =	sshll.u32 @p3 s0, $0x7;
	s2 =	smul.u32 @p3 $0xC3800, s2  }
0xf2: {  	s0 =	sand.u32 @p3 $0x380, s0  }
0xf3: {  	s0 =	sor.u32 @p3 s0, s2  }
0xf4: {  	s0 =	sshrl.u32 @p3 s0, $0x3  }
0xf5: {  	s0 =	sadd.s32 @p3 s3, s0  }
0xf6: {  	[tilespmem:s7], [sflag:$0x4] =	stream.strided.gather @p3 [hbm4b:s0+s15], $0x18700, s16, s15, $0x38;
	[tilespmem:$0x1E700] =	vst v63  }
0xf7: {  	_ =	swait.ge @p3 [sflag:s17], $0x18700  }
0xf8: {  	s31 =	sor.u32 $0x1, s23;
	[sflag:s17] =	ssyncset.done @p3 $0x0  }
0xf9: {  	[sflag:s17] =	ssyncadd.s32 @p3 $0xFFFE7900;
	p3 =	sge.u32 s31, s10  }
0xfa: {  	s0 =	sadd.s32 @!p3 $0x1, s24  }
0xfb: {  	s2 =	smulhi.u32 @!p3 $0x51EB851F, s0;
	_ =	sdelay $0x1  }
0xfc: {  	s2 =	sshrl.u32 @!p3 s2, $0x3  }
0xfd: {  	s2 =	smul.u32 @!p3 $0x19, s2;
	_ =	sdelay $0x1  }
0xfe: {  	_ =	swait.ge [sflag:s21], $0x2000;
	s0 =	ssub.s32 @!p3 s0, s2  }
0xff: {  	s11 =	simm.s32 @!p3 $0x1A700;
	[sflag:s21] =	ssyncset.done $0x0;
	s0 =	sshll.u32 @!p3 s0, $0xA  }
0x100: {  	[sflag:s21] =	ssyncadd.s32 $0xFFFFE000;
	s2 =	simm.s32 @!p3 $0x0;
	s0 =	sadd.s32 @!p3 s5, s0  }
0x101: {  	[tilespmem:s11], [sflag:$0x2] =	stream.linear.gather @!p3 [hbm4b:s0+s2], $0x2000, $0x38;
	[tilespmem:$0x1E700] =	vst v63  }
0x102: {  	s0 =	simm.s32 @!p2 $0x3  }
0x103: {  	_ =	swait.ge @!p2 [sflag:s0], $0x2000  }
0x104: {  	s30 =	simm.s32 $0x0;
	[sflag:s0] =	ssyncset.done @!p2 $0x0  }
0x105: {  	s2 =	simm.s32 $0x18B00;
	[sflag:s0] =	ssyncadd.s32 @!p2 $0xFFFFE000;
	s0 =	simm.s32 $0x1CB00  }
.LBB2_18:
0x106: {  	v0 =	vld [tilespmem:s2+$0x70]  }
0x107: {  	v1 =	vld [tilespmem:s2+$0xFFFFFC10]  }
0x108: {  	v2 =	vld [tilespmem:s2+$0xFFFFFC20]  }
0x109: {  	v3 =	vld [tilespmem:s2+$0xFFFFFC30]  }
0x10a: {  	v4 =	vld [tilespmem:s2+$0xFFFFFC40]  }
0x10b: {  	v5 =	vld [tilespmem:s2+$0xFFFFFC50]  }
0x10c: {  	v6 =	vld [tilespmem:s2+$0xFFFFFC60]  }
0x10d: {  	v7 =	vld [tilespmem:s2+$0xFFFFFC70]  }
0x10e: {  	v8 =	vld [tilespmem:s2+$0x0]  }
0x10f: {  	v9 =	vld [tilespmem:s2+$0x10]  }
0x110: {  	v10 =	vld [tilespmem:s2+$0x20]  }
0x111: {  	v11 =	vld [tilespmem:s2+$0x30]  }
0x112: {  	v12 =	vld [tilespmem:s2+$0x40]  }
0x113: {  	v13 =	vld [tilespmem:s2+$0x50]  }
0x114: {  	v14 =	vld [tilespmem:s2+$0x60]  }
0x115: {  	v15 =	vld [tilespmem:s2+$0xFFFFFC00]  }
0x116: {  	v0 =	vld.idx.msk [tilespmem:v0+s7+$0x0], $0xffff  }
0x117: {  	v1 =	vld.idx.msk [tilespmem:v1+s7+$0x0], $0xffff  }
0x118: {  	v2 =	vld.idx.msk [tilespmem:v2+s7+$0x0], $0xffff  }
0x119: {  	v3 =	vld.idx.msk [tilespmem:v3+s7+$0x0], $0xffff  }
0x11a: {  	v4 =	vld.idx.msk [tilespmem:v4+s7+$0x0], $0xffff  }
0x11b: {  	v5 =	vld.idx.msk [tilespmem:v5+s7+$0x0], $0xffff  }
0x11c: {  	v6 =	vld.idx.msk [tilespmem:v6+s7+$0x0], $0xffff;
	[tilespmem:s0+$0x70] =	vst v0  }
0x11d: {  	v7 =	vld.idx.msk [tilespmem:v7+s7+$0x0], $0xffff;
	[tilespmem:s0+$0xFFFFFC10] =	vst v1  }
0x11e: {  	v15 =	vld.idx.msk [tilespmem:v15+s7+$0x0], $0xffff;
	[tilespmem:s0+$0xFFFFFC20] =	vst v2  }
0x11f: {  	v8 =	vld.idx.msk [tilespmem:v8+s7+$0x0], $0xffff;
	[tilespmem:s0+$0xFFFFFC30] =	vst v3  }
0x120: {  	[tilespmem:s0+$0xFFFFFC40] =	vst v4;
	v0 =	vld.idx.msk [tilespmem:v9+s7+$0x0], $0xffff  }
0x121: {  	[tilespmem:s0+$0xFFFFFC50] =	vst v5;
	v1 =	vld.idx.msk [tilespmem:v10+s7+$0x0], $0xffff  }
0x122: {  	[tilespmem:s0+$0xFFFFFC60] =	vst v6;
	v2 =	vld.idx.msk [tilespmem:v11+s7+$0x0], $0xffff  }
0x123: {  	[tilespmem:s0+$0xFFFFFC70] =	vst v7;
	v3 =	vld.idx.msk [tilespmem:v12+s7+$0x0], $0xffff  }
0x124: {  	[tilespmem:s0+$0xFFFFFC00] =	vst v15;
	v4 =	vld.idx.msk [tilespmem:v13+s7+$0x0], $0xffff  }
0x125: {  	s11 =	simm.s32 $0x0;
	s13 =	sadd.s32 $0x800, s2;
	s31 =	smov.u32 s0;
	[tilespmem:s0+$0x0] =	vst v8;
	v5 =	vld.idx.msk [tilespmem:v14+s7+$0x0], $0xffff  }
.LBB2_19:
0x126: {  	v6 =	vld [tilespmem:s13+$0x70];
	s11 =	sadd.s32 $0x100, s11;
	[tilespmem:s31+$0x10] =	vst v0  }
0x127: {  	v0 =	vld [tilespmem:s13+$0xFFFFFC10];
	p2 =	slt.u32 s11, $0x300;
	[tilespmem:s31+$0x20] =	vst v1  }
0x128: {  	v1 =	vld [tilespmem:s13+$0xFFFFFC20];
	[tilespmem:s31+$0x30] =	vst v2  }
0x129: {  	v2 =	vld [tilespmem:s13+$0xFFFFFC30];
	[tilespmem:s31+$0x40] =	vst v3  }
0x12a: {  	v3 =	vld [tilespmem:s13+$0xFFFFFC40];
	[tilespmem:s31+$0x50] =	vst v4  }
0x12b: {  	v4 =	vld [tilespmem:s13+$0xFFFFFC50];
	[tilespmem:s31+$0x60] =	vst v5  }
0x12c: {  	v5 =	vld [tilespmem:s13+$0xFFFFFC60]  }
0x12d: {  	v7 =	vld [tilespmem:s13+$0xFFFFFC70]  }
0x12e: {  	v6 =	vld.idx.msk [tilespmem:v6+s7+$0x0], $0xffff  }
0x12f: {  	v8 =	vld [tilespmem:s13+$0x0]  }
0x130: {  	v9 =	vld [tilespmem:s13+$0x10]  }
0x131: {  	v10 =	vld [tilespmem:s13+$0x20]  }
0x132: {  	v11 =	vld [tilespmem:s13+$0x30]  }
0x133: {  	s31 =	sadd.s32 $0x800, s31;
	v12 =	vld [tilespmem:s13+$0x40]  }
0x134: {  	v13 =	vld [tilespmem:s13+$0x50];
	[tilespmem:s31+$0x70] =	vst v6  }
0x135: {  	v6 =	vld [tilespmem:s13+$0x60]  }
0x136: {  	v14 =	vld [tilespmem:s13+$0xFFFFFC00]  }
0x137: {  	v0 =	vld.idx.msk [tilespmem:v0+s7+$0x0], $0xffff  }
0x138: {  	v1 =	vld.idx.msk [tilespmem:v1+s7+$0x0], $0xffff  }
0x139: {  	v2 =	vld.idx.msk [tilespmem:v2+s7+$0x0], $0xffff  }
0x13a: {  	v3 =	vld.idx.msk [tilespmem:v3+s7+$0x0], $0xffff  }
0x13b: {  	v4 =	vld.idx.msk [tilespmem:v4+s7+$0x0], $0xffff  }
0x13c: {  	v5 =	vld.idx.msk [tilespmem:v5+s7+$0x0], $0xffff  }
0x13d: {  	[tilespmem:s31+$0xFFFFFC10] =	vst v0;
	v7 =	vld.idx.msk [tilespmem:v7+s7+$0x0], $0xffff  }
0x13e: {  	v14 =	vld.idx.msk [tilespmem:v14+s7+$0x0], $0xffff;
	[tilespmem:s31+$0xFFFFFC20] =	vst v1  }
0x13f: {  	[tilespmem:s31+$0xFFFFFC30] =	vst v2;
	v8 =	vld.idx.msk [tilespmem:v8+s7+$0x0], $0xffff  }
0x140: {  	[tilespmem:s31+$0xFFFFFC40] =	vst v3;
	v0 =	vld.idx.msk [tilespmem:v9+s7+$0x0], $0xffff  }
.Ltmp17:
0x141: {  	[tilespmem:s31+$0xFFFFFC50] =	vst v4;
	v1 =	vld.idx.msk [tilespmem:v10+s7+$0x0], $0xffff;
	(pc) =	sbr.rel @p2 .LBB2_19-.Ltmp17, $4  }
0x142: {  	[tilespmem:s31+$0xFFFFFC60] =	vst v5;
	v2 =	vld.idx.msk [tilespmem:v11+s7+$0x0], $0xffff  }
0x143: {  	[tilespmem:s31+$0xFFFFFC70] =	vst v7;
	v3 =	vld.idx.msk [tilespmem:v12+s7+$0x0], $0xffff  }
0x144: {  	[tilespmem:s31+$0xFFFFFC00] =	vst v14;
	v4 =	vld.idx.msk [tilespmem:v13+s7+$0x0], $0xffff  }
0x145: {  	s13 =	sadd.s32 $0x800, s13;
	[tilespmem:s31+$0x0] =	vst v8;
	v5 =	vld.idx.msk [tilespmem:v6+s7+$0x0], $0xffff  }
0x146: {  	s30 =	sadd.s32 $0x1, s30  }
0x147: {  	[tilespmem:s31+$0x10] =	vst v0;
	p2 =	sne.s32 s30, $0x8  }
.Ltmp18:
0x148: {  	[tilespmem:s31+$0x20] =	vst v1;
	(pc) =	sbr.rel @p2 .LBB2_18-.Ltmp18, $4  }
0x149: {  	[tilespmem:s31+$0x30] =	vst v2  }
0x14a: {  	[tilespmem:s31+$0x40] =	vst v3  }
0x14b: {  	[tilespmem:s31+$0x50] =	vst v4  }
0x14c: {  	s0 =	sadd.s32 $0x80, s0;
	s2 =	sadd.s32 $0x80, s2;
	[tilespmem:s31+$0x60] =	vst v5  }
0x14d: {  	s0 =	smul.u32 $0x32000, s29  }
0x14e: {  	s2 =	sshll.u32 s28, $0xD  }
0x14f: {  	s0 =	sadd.s32 s2, s0  }
0x150: {  	s0 =	sshrl.u32 s0, $0x3  }
0x151: {  	s0 =	sadd.s32 s6, s0  }
0x152: {  	[hbm4b:s0+s7] =	stream.linear.scatter [tilespmem:s20], [sflag:$0x3], $0x2000, $0x38;
	[tilespmem:$0x1E700] =	vst v63  }
.LBB2_22:
0x153: {  	p2 =	seq.s32 s26, $0x1  }
0x154: {  	p1 =	por p1, !p2  }
.Ltmp19:
0x155: {  	_ = 	snop;
	(pc) =	sbr.rel @p1 .LBB2_28-.Ltmp19, $1  }
0x156: {  	_ =	sdelay $0x3  }
0x157: {  	s0 =	sshrl.u32 s25, $0x3  }
0x158: {  	s2 =	smul.u32 $0x19, s0;
	_ =	sdelay $0x1  }
0x159: {  	s25 =	ssub.s32 s24, s2  }
0x15a: {  	s26 =	sadd.s32 $0x120, s0;
	p1 =	sne.s32 s25, $0x0  }
0x15b: {  	s2 =	sshrl.u32 @!p1 s26, $0x3  }
0x15c: {  	s0 =	sshll.u32 @!p1 s0, $0x7;
	s2 =	smul.u32 @!p1 $0xC3800, s2  }
0x15d: {  	s0 =	sand.u32 @!p1 $0x380, s0  }
0x15e: {  	s0 =	sor.u32 @!p1 s0, s2  }
0x15f: {  	p2 =	sge.s32 s23, s12;
	s11 =	simm.s32 @!p1 $0x400;
	s0 =	sshrl.u32 @!p1 s0, $0x3  }
0x160: {  	s13 =	simm.s32 @!p1 $0x0;
	s2 =	simm.s32 @!p1 $0x80;
	s0 =	sadd.s32 @!p1 s3, s0  }
0x161: {  	[tilespmem:s13], [sflag:$0x4] =	stream.strided.gather @!p1 [hbm4b:s0+s2], $0x18700, s11, s2, $0x38;
	[tilespmem:$0x1E700] =	vst v63  }
0x162: {  	s0 =	sadd.s32 @!p2 $0x1, s24  }
0x163: {  	s2 =	simm.s32 @!p1 $0x4;
	s11 =	smulhi.u32 @!p2 $0x51EB851F, s0  }
0x164: {  	_ =	swait.ge @!p1 [sflag:s2], $0x18700  }
0x165: {  	[sflag:s2] =	ssyncset.done @!p1 $0x0;
	s11 =	sshrl.u32 @!p2 s11, $0x3  }
0x166: {  	[sflag:s2] =	ssyncadd.s32 @!p1 $0xFFFE7900;
	s2 =	smul.u32 @!p2 $0x19, s11;
	_ =	sdelay $0x1  }
0x167: {  	_ =	swait.ge [sflag:s18], $0x2000;
	s0 =	ssub.s32 @!p2 s0, s2  }
0x168: {  	s11 =	simm.s32 @!p2 $0x18700;
	[sflag:s18] =	ssyncset.done $0x0;
	s0 =	sshll.u32 @!p2 s0, $0xA  }
0x169: {  	[sflag:s18] =	ssyncadd.s32 $0xFFFFE000;
	s2 =	simm.s32 @!p2 $0x0;
	s0 =	sadd.s32 @!p2 s5, s0  }
0x16a: {  	[tilespmem:s11], [sflag:$0x1] =	stream.linear.gather @!p2 [hbm4b:s0+s2], $0x2000, $0x38;
	[tilespmem:$0x1E700] =	vst v63  }
0x16b: {  	_ =	swait.ge [sflag:s19], $0x2000  }
0x16c: {  	s28 =	simm.s32 $0x1CB00;
	[sflag:s19] =	ssyncset.done $0x0  }
0x16d: {  	s24 =	simm.s32 $0x0;
	s2 =	simm.s32 $0x1AB00;
	[sflag:s19] =	ssyncadd.s32 $0xFFFFE000  }
.LBB2_24:
0x16e: {  	v0 =	vld [tilespmem:s2+$0x70]  }
0x16f: {  	v1 =	vld [tilespmem:s2+$0xFFFFFC10]  }
0x170: {  	v2 =	vld [tilespmem:s2+$0xFFFFFC20]  }
0x171: {  	v3 =	vld [tilespmem:s2+$0xFFFFFC30]  }
0x172: {  	v4 =	vld [tilespmem:s2+$0xFFFFFC40]  }
0x173: {  	v5 =	vld [tilespmem:s2+$0xFFFFFC50]  }
0x174: {  	v6 =	vld [tilespmem:s2+$0xFFFFFC60]  }
0x175: {  	v7 =	vld [tilespmem:s2+$0xFFFFFC70]  }
0x176: {  	v8 =	vld [tilespmem:s2+$0x0]  }
0x177: {  	v9 =	vld [tilespmem:s2+$0x10]  }
0x178: {  	v10 =	vld [tilespmem:s2+$0x20]  }
0x179: {  	v11 =	vld [tilespmem:s2+$0x30]  }
0x17a: {  	v12 =	vld [tilespmem:s2+$0x40]  }
0x17b: {  	v13 =	vld [tilespmem:s2+$0x50]  }
0x17c: {  	v14 =	vld [tilespmem:s2+$0x60]  }
0x17d: {  	v15 =	vld [tilespmem:s2+$0xFFFFFC00]  }
0x17e: {  	v0 =	vld.idx.msk [tilespmem:v0+s7+$0x0], $0xffff  }
0x17f: {  	v1 =	vld.idx.msk [tilespmem:v1+s7+$0x0], $0xffff  }
0x180: {  	v2 =	vld.idx.msk [tilespmem:v2+s7+$0x0], $0xffff  }
0x181: {  	v3 =	vld.idx.msk [tilespmem:v3+s7+$0x0], $0xffff  }
0x182: {  	v4 =	vld.idx.msk [tilespmem:v4+s7+$0x0], $0xffff  }
0x183: {  	v5 =	vld.idx.msk [tilespmem:v5+s7+$0x0], $0xffff  }
0x184: {  	v6 =	vld.idx.msk [tilespmem:v6+s7+$0x0], $0xffff;
	[tilespmem:s28+$0x70] =	vst v0  }
0x185: {  	v7 =	vld.idx.msk [tilespmem:v7+s7+$0x0], $0xffff;
	[tilespmem:s28+$0xFFFFFC10] =	vst v1  }
0x186: {  	v15 =	vld.idx.msk [tilespmem:v15+s7+$0x0], $0xffff;
	[tilespmem:s28+$0xFFFFFC20] =	vst v2  }
0x187: {  	v8 =	vld.idx.msk [tilespmem:v8+s7+$0x0], $0xffff;
	[tilespmem:s28+$0xFFFFFC30] =	vst v3  }
0x188: {  	[tilespmem:s28+$0xFFFFFC40] =	vst v4;
	v0 =	vld.idx.msk [tilespmem:v9+s7+$0x0], $0xffff  }
0x189: {  	[tilespmem:s28+$0xFFFFFC50] =	vst v5;
	v1 =	vld.idx.msk [tilespmem:v10+s7+$0x0], $0xffff  }
0x18a: {  	[tilespmem:s28+$0xFFFFFC60] =	vst v6;
	v2 =	vld.idx.msk [tilespmem:v11+s7+$0x0], $0xffff  }
0x18b: {  	[tilespmem:s28+$0xFFFFFC70] =	vst v7;
	v3 =	vld.idx.msk [tilespmem:v12+s7+$0x0], $0xffff  }
0x18c: {  	[tilespmem:s28+$0xFFFFFC00] =	vst v15;
	v4 =	vld.idx.msk [tilespmem:v13+s7+$0x0], $0xffff  }
0x18d: {  	s11 =	simm.s32 $0x0;
	s13 =	sadd.s32 $0x800, s2;
	s0 =	smov.u32 s28;
	[tilespmem:s28+$0x0] =	vst v8;
	v5 =	vld.idx.msk [tilespmem:v14+s7+$0x0], $0xffff  }
.LBB2_25:
0x18e: {  	v6 =	vld [tilespmem:s13+$0x70];
	s11 =	sadd.s32 $0x100, s11;
	[tilespmem:s0+$0x10] =	vst v0  }
0x18f: {  	v0 =	vld [tilespmem:s13+$0xFFFFFC10];
	p1 =	slt.u32 s11, $0x300;
	[tilespmem:s0+$0x20] =	vst v1  }
0x190: {  	v1 =	vld [tilespmem:s13+$0xFFFFFC20];
	[tilespmem:s0+$0x30] =	vst v2  }
0x191: {  	v2 =	vld [tilespmem:s13+$0xFFFFFC30];
	[tilespmem:s0+$0x40] =	vst v3  }
0x192: {  	v3 =	vld [tilespmem:s13+$0xFFFFFC40];
	[tilespmem:s0+$0x50] =	vst v4  }
0x193: {  	v4 =	vld [tilespmem:s13+$0xFFFFFC50];
	[tilespmem:s0+$0x60] =	vst v5  }
0x194: {  	v5 =	vld [tilespmem:s13+$0xFFFFFC60]  }
0x195: {  	v7 =	vld [tilespmem:s13+$0xFFFFFC70]  }
0x196: {  	v6 =	vld.idx.msk [tilespmem:v6+s7+$0x0], $0xffff  }
0x197: {  	v8 =	vld [tilespmem:s13+$0x0]  }
0x198: {  	v9 =	vld [tilespmem:s13+$0x10]  }
0x199: {  	v10 =	vld [tilespmem:s13+$0x20]  }
0x19a: {  	v11 =	vld [tilespmem:s13+$0x30]  }
0x19b: {  	s0 =	sadd.s32 $0x800, s0;
	v12 =	vld [tilespmem:s13+$0x40]  }
0x19c: {  	v13 =	vld [tilespmem:s13+$0x50];
	[tilespmem:s0+$0x70] =	vst v6  }
0x19d: {  	v6 =	vld [tilespmem:s13+$0x60]  }
0x19e: {  	v14 =	vld [tilespmem:s13+$0xFFFFFC00]  }
0x19f: {  	v0 =	vld.idx.msk [tilespmem:v0+s7+$0x0], $0xffff  }
0x1a0: {  	v1 =	vld.idx.msk [tilespmem:v1+s7+$0x0], $0xffff  }
0x1a1: {  	v2 =	vld.idx.msk [tilespmem:v2+s7+$0x0], $0xffff  }
0x1a2: {  	v3 =	vld.idx.msk [tilespmem:v3+s7+$0x0], $0xffff  }
0x1a3: {  	v4 =	vld.idx.msk [tilespmem:v4+s7+$0x0], $0xffff  }
0x1a4: {  	v5 =	vld.idx.msk [tilespmem:v5+s7+$0x0], $0xffff  }
0x1a5: {  	[tilespmem:s0+$0xFFFFFC10] =	vst v0;
	v7 =	vld.idx.msk [tilespmem:v7+s7+$0x0], $0xffff  }
0x1a6: {  	v14 =	vld.idx.msk [tilespmem:v14+s7+$0x0], $0xffff;
	[tilespmem:s0+$0xFFFFFC20] =	vst v1  }
0x1a7: {  	[tilespmem:s0+$0xFFFFFC30] =	vst v2;
	v8 =	vld.idx.msk [tilespmem:v8+s7+$0x0], $0xffff  }
0x1a8: {  	[tilespmem:s0+$0xFFFFFC40] =	vst v3;
	v0 =	vld.idx.msk [tilespmem:v9+s7+$0x0], $0xffff  }
.Ltmp20:
0x1a9: {  	[tilespmem:s0+$0xFFFFFC50] =	vst v4;
	v1 =	vld.idx.msk [tilespmem:v10+s7+$0x0], $0xffff;
	(pc) =	sbr.rel @p1 .LBB2_25-.Ltmp20, $4  }
0x1aa: {  	[tilespmem:s0+$0xFFFFFC60] =	vst v5;
	v2 =	vld.idx.msk [tilespmem:v11+s7+$0x0], $0xffff  }
0x1ab: {  	[tilespmem:s0+$0xFFFFFC70] =	vst v7;
	v3 =	vld.idx.msk [tilespmem:v12+s7+$0x0], $0xffff  }
0x1ac: {  	[tilespmem:s0+$0xFFFFFC00] =	vst v14;
	v4 =	vld.idx.msk [tilespmem:v13+s7+$0x0], $0xffff  }
0x1ad: {  	s13 =	sadd.s32 $0x800, s13;
	[tilespmem:s0+$0x0] =	vst v8;
	v5 =	vld.idx.msk [tilespmem:v6+s7+$0x0], $0xffff  }
0x1ae: {  	s24 =	sadd.s32 $0x1, s24  }
0x1af: {  	[tilespmem:s0+$0x10] =	vst v0;
	p1 =	sne.s32 s24, $0x8  }
.Ltmp21:
0x1b0: {  	[tilespmem:s0+$0x20] =	vst v1;
	(pc) =	sbr.rel @p1 .LBB2_24-.Ltmp21, $4  }
0x1b1: {  	[tilespmem:s0+$0x30] =	vst v2  }
0x1b2: {  	[tilespmem:s0+$0x40] =	vst v3  }
0x1b3: {  	[tilespmem:s0+$0x50] =	vst v4  }
0x1b4: {  	s28 =	sadd.s32 $0x80, s28;
	s2 =	sadd.s32 $0x80, s2;
	[tilespmem:s0+$0x60] =	vst v5  }
0x1b5: {  	s0 =	smul.u32 $0x32000, s26  }
.Ltmp22:
0x1b6: {  	s2 =	sshll.u32 s25, $0xD;
	(pc) =	sbr.rel .LBB2_28-.Ltmp22, $4  }
0x1b7: {  	s0 =	sadd.s32 s2, s0  }
0x1b8: {  	s0 =	sshrl.u32 s0, $0x3  }
0x1b9: {  	s0 =	sadd.s32 s6, s0  }
0x1ba: {  	[hbm4b:s0+s7] =	stream.linear.scatter [tilespmem:s20], [sflag:$0x3], $0x2000, $0x38;
	[tilespmem:$0x1E700] =	vst v63  }
.LBB2_31:
0x1bb: {  	_ =	sfence.sel $0x180000  }
0x1bc: {  	[bflag:$0x0] =	sbarrier.arrive $0xFFFF  }
0x1bd: {  	_ =	strace $0x90000047  }
0x1be: {  	s0 =	stileid.u32;
	[bflag:$0x2] =	sbarrier.arrive $0xFFFF  }
0x1bf: {  	p0 =	sne.s32 s0, $0x0;
	s0 =	rddreg [dreg:$0x3]  }
0x1c0: {  	s0 =	sadd.s32 @!p0 $0x100000, s0  }
0x1c1: {  	[sflag:s0] =	ssyncadd.tile.s32 @!p0 $0x1;
	_ =	shalt  }
.Lfunc_end2:
_tile_overlayer_lowered:
.L_overlay_start_2:
0x1c2: {  	(tag) =	ssettag $0x2  }
0x1c3: {  	s0 =	rddreg [dreg:$0x0];
	s2 =	stileid.u32  }
0x1c4: {  	s1 =	rddreg [dreg:$0x1];
	p0 =	sne.s32 s2, $0x0  }
0x1c5: {  	s3 =	rddreg [dreg:$0x2];
	[bflag:$0x3] =	sbarrier.arrive $0xFFFF;
	s2 =	simm.s32 @!p0 $0x1C04  }
0x1c6: {  	[timem:s3], [sflag:s2] =	dma.local @!p0 [hbm:s0], s1  }
0x1c7: {  	s0 =	simm.s32 @!p0 $0x4  }
0x1c8: {  	_ =	swait.ge @!p0 [sflag:s0], s1  }
0x1c9: {  	s1 =	ssub.s32 @!p0 $0x0, s1;
	[sflag:s0] =	ssyncset.done @!p0 $0x0  }
0x1ca: {  	[sflag:s0] =	ssyncadd.s32 @!p0 s1  }
0x1cb: {  	[bflag:$0x3] =	sbarrier.arrive $0xFFFF  }
0x1cc: {  	_ =	shalt  }

</sc_bundles>
